<compile_context>
chip_gen: v7x
topology: tpu7x:2x2x1
jax: 0.10.2.dev20260603
libtpu: 0.0.44.dev20260713+nightly
codegen_flags: <defaults>
</compile_context>

<pallas_src>
import jax
import jax.numpy as jnp
from jax import lax
from jax.experimental import pallas as pl
from jax.experimental.pallas import tpu as pltpu
from jax.experimental.pallas import tpu_sc as plsc

_BATCH = 16384
_EMBED_DIM = 64
_VOCAB = 100001
_NUM_CORES = 2
_NUM_SUBCORES = 16
_NUM_WORKERS = _NUM_CORES * _NUM_SUBCORES
_DIMS_PER_W = _EMBED_DIM // _NUM_WORKERS
_CHUNK = 4096
_NUM_CHUNKS = _BATCH // _CHUNK
_LANES = 16
_UNROLL = 8


def _gather_body(idx_hbm, tblt_hbm, outt_hbm, row_v, idx_v, out_v, idx_sp, rsem, osem):
    sid = lax.axis_index("s")
    wid = sid * _NUM_CORES + lax.axis_index("c")
    row_dma = pltpu.async_copy(tblt_hbm.at[wid * _DIMS_PER_W], row_v, rsem)

    @pl.when(sid == 0)
    def _():
        pltpu.sync_copy(idx_hbm, idx_sp)

    plsc.subcore_barrier()
    pltpu.sync_copy(idx_sp, idx_v)
    pending = []
    for j in range(_DIMS_PER_W):
        d = wid * _DIMS_PER_W + j
        row_dma.wait()
        for c in range(_NUM_CHUNKS):
            buf = (j * _NUM_CHUNKS + c) % 2
            if len(pending) >= 2:
                pending.pop(0).wait()

            @plsc.parallel_loop(0, _CHUNK, step=_LANES, unroll=_UNROLL)
            def _(o, _c=c, _buf=buf):
                iv = idx_v[pl.ds(_c * _CHUNK + o, _LANES)]
                out_v[_buf, pl.ds(o, _LANES)] = plsc.load_gather(row_v, [iv])

            pending.append(
                pltpu.async_copy(
                    out_v.at[buf],
                    outt_hbm.at[d, pl.ds(c * _CHUNK, _CHUNK)],
                    osem,
                )
            )
        if j + 1 < _DIMS_PER_W:
            row_dma = pltpu.async_copy(tblt_hbm.at[d + 1], row_v, rsem)
    for p in pending:
        p.wait()


@jax.jit
def _gather(indices, table):
    mesh = plsc.VectorSubcoreMesh(
        core_axis_name="c",
        subcore_axis_name="s",
        num_cores=_NUM_CORES,
        num_subcores=_NUM_SUBCORES,
    )
    out_t = pl.kernel(
        _gather_body,
        out_type=jax.ShapeDtypeStruct((_EMBED_DIM, _BATCH), jnp.float32),
        mesh=mesh,
        scratch_types=[
            pltpu.VMEM((_VOCAB,), jnp.float32),
            pltpu.VMEM((_BATCH,), jnp.int32),
            pltpu.VMEM((2, _CHUNK), jnp.float32),
            pltpu.VMEM_SHARED((_BATCH,), jnp.int32),
            pltpu.SemaphoreType.DMA,
            pltpu.SemaphoreType.DMA,
        ],
        compiler_params=pltpu.CompilerParams(needs_layout_passes=False),
    )(indices, table.T)
    return out_t.T


def kernel(indices, table):
    return _gather(indices.astype(jnp.int32), table)

# --- scband reference (transcript-rebuilt; emitter-appended) ---
"""Pipeline reference for scband-movie-model-54735063220347 (READ-ONLY COPY).

The authoritative reference and input builder live on the scoring server;
editing this copy changes nothing except your own understanding.
"""

import jax, jax.numpy as jnp
import numpy as np

NUM_EMBEDDINGS = 100001
EMBED_DIM = 64
BATCH = 16384

def setup_inputs(seed: int = 0) -> dict:
    key = jax.random.key(seed)
    k_idx, k_tab = jax.random.split(key)
    indices = jax.random.randint(k_idx, (BATCH,), 0, NUM_EMBEDDINGS, dtype=jnp.int64 if jax.config.jax_enable_x64 else jnp.int32)
    table = jax.random.normal(k_tab, (NUM_EMBEDDINGS, EMBED_DIM), dtype=jnp.float32) * 0.05
    return {"indices": indices, "table": table}

def reference(indices, table):
    # StringLookup maps strings -> integer ids; we model the pipeline from ids onward.
    # Embedding lookup: gather rows of the table.
    return jnp.take(table, indices, axis=0)

if __name__ == "__main__":
    import jax
    _d = setup_inputs()
    print(jax.jit(kernel)(*tuple(_d.values())))

</pallas_src>

<mosaic_0001>
#map = affine_map<(d0, d1) -> (0)>
#map1 = affine_map<(d0, d1) -> (0, 0)>
module attributes {stable_mosaic.version = 14 : i64} {
  func.func @_gather_body(%arg0: i32, %arg1: i32, %arg2: memref<16384xi32, #tpu.memory_space<hbm>>, %arg3: memref<64x100001xf32, #tpu.memory_space<hbm>>, %arg4: memref<64x16384xf32, #tpu.memory_space<hbm>>, %arg5: memref<100001xf32, #tpu.memory_space<vmem>>, %arg6: memref<16384xi32, #tpu.memory_space<vmem>>, %arg7: memref<2x4096xf32, #tpu.memory_space<vmem>>, %arg8: memref<16384xi32, #tpu.memory_space<vmem_shared>>, %arg9: memref<!tpu.dma_semaphore, #tpu.memory_space<semaphore_mem>>, %arg10: memref<!tpu.dma_semaphore, #tpu.memory_space<semaphore_mem>>) attributes {dimension_semantics = [#tpu.dimension_semantics<core_parallel>, #tpu.dimension_semantics<subcore_parallel>], iteration_bounds = array<i64: 2, 16>, scalar_prefetch = 0 : i64, scratch_operands = 6 : i64, tpu.core_type = #tpu.core_type<sc_vector_subcore>, window_params = [{transform_indices = #map}, {transform_indices = #map1}, {transform_indices = #map1}]} {
    %mul3A = arith.constant 2 : i32
    %mul3A_0 = arith.muli %arg1, %mul3A : i32
    %add3A = arith.addi %mul3A_0, %arg0 : i32
    %mul3A_1 = arith.constant 2 : i32
    %mul3A_2 = arith.muli %add3A, %mul3A_1 : i32
    %dma_start3A = arith.constant 0 : i32
    %dma_start3A_3 = tpu.memref_slice %arg3[%mul3A_2, %dma_start3A] : memref<64x100001xf32, #tpu.memory_space<hbm>> -> memref<1x100001xf32, #tpu.memory_space<hbm>>
    %dma_start3A_4 = tpu.memref_squeeze %dma_start3A_3 : memref<1x100001xf32, #tpu.memory_space<hbm>> -> memref<100001xf32, #tpu.memory_space<hbm>>
    %dma_start3A_5 = arith.constant 0 : i32
    %dma_start3A_6 = tpu.memref_slice %arg3[%mul3A_2, %dma_start3A_5] : memref<64x100001xf32, #tpu.memory_space<hbm>> -> memref<1x100001xf32, #tpu.memory_space<hbm>>
    %dma_start3A_7 = tpu.memref_squeeze %dma_start3A_6 : memref<1x100001xf32, #tpu.memory_space<hbm>> -> memref<100001xf32, #tpu.memory_space<hbm>>
    tpu.enqueue_dma source(%dma_start3A_7 : memref<100001xf32, #tpu.memory_space<hbm>>) target(%arg5 : memref<100001xf32, #tpu.memory_space<vmem>>) target_semaphore(%arg9 : memref<!tpu.dma_semaphore, #tpu.memory_space<semaphore_mem>>)
    %eq3A = arith.constant 0 : i32
    %eq3A_8 = arith.cmpi eq, %arg1, %eq3A : i32
    %convert_element_type3A = arith.extui %eq3A_8 : i1 to i32
    %cond3A = arith.constant 0 : i32
    %cond3A_9 = arith.cmpi ne, %convert_element_type3A, %cond3A : i32
    scf.if %cond3A_9 {
      "tpu.region"() ({
        %run_scoped3A = tpu.sem_alloc : memref<!tpu.dma_semaphore, #tpu.memory_space<semaphore_mem>>
        tpu.enqueue_dma source(%arg2 : memref<16384xi32, #tpu.memory_space<hbm>>) target(%arg8 : memref<16384xi32, #tpu.memory_space<vmem_shared>>) target_semaphore(%run_scoped3A : memref<!tpu.dma_semaphore, #tpu.memory_space<semaphore_mem>>)
        tpu.wait_dma2 semaphore(%run_scoped3A : memref<!tpu.dma_semaphore, #tpu.memory_space<semaphore_mem>>) src(%arg2 : memref<16384xi32, #tpu.memory_space<hbm>>) dst(%arg8 : memref<16384xi32, #tpu.memory_space<vmem_shared>>)
        tpu.yield
      }) : () -> ()
    } else {
    }
    %barrier3A = arith.constant 0 : index
    tpu.barrier barrier_id(%barrier3A)
    "tpu.region"() ({
      %run_scoped3A = tpu.sem_alloc : memref<!tpu.dma_semaphore, #tpu.memory_space<semaphore_mem>>
      tpu.enqueue_dma source(%arg8 : memref<16384xi32, #tpu.memory_space<vmem_shared>>) target(%arg6 : memref<16384xi32, #tpu.memory_space<vmem>>) target_semaphore(%run_scoped3A : memref<!tpu.dma_semaphore, #tpu.memory_space<semaphore_mem>>)
      tpu.wait_dma2 semaphore(%run_scoped3A : memref<!tpu.dma_semaphore, #tpu.memory_space<semaphore_mem>>) src(%arg8 : memref<16384xi32, #tpu.memory_space<vmem_shared>>) dst(%arg6 : memref<16384xi32, #tpu.memory_space<vmem>>)
      tpu.yield
    }) : () -> ()
    %mul3A_10 = arith.constant 2 : i32
    %mul3A_11 = arith.muli %add3A, %mul3A_10 : i32
    %add3A_12 = arith.constant 0 : i32
    %add3A_13 = arith.addi %mul3A_11, %add3A_12 : i32
    %dma_wait3A = arith.constant 0 : i32
    %dma_wait3A_14 = tpu.memref_slice %arg3[%mul3A_2, %dma_wait3A] : memref<64x100001xf32, #tpu.memory_space<hbm>> -> memref<1x100001xf32, #tpu.memory_space<hbm>>
    %dma_wait3A_15 = tpu.memref_squeeze %dma_wait3A_14 : memref<1x100001xf32, #tpu.memory_space<hbm>> -> memref<100001xf32, #tpu.memory_space<hbm>>
    %dma_wait3A_16 = arith.constant 0 : i32
    %dma_wait3A_17 = tpu.memref_slice %arg3[%mul3A_2, %dma_wait3A_16] : memref<64x100001xf32, #tpu.memory_space<hbm>> -> memref<1x100001xf32, #tpu.memory_space<hbm>>
    %dma_wait3A_18 = tpu.memref_squeeze %dma_wait3A_17 : memref<1x100001xf32, #tpu.memory_space<hbm>> -> memref<100001xf32, #tpu.memory_space<hbm>>
    tpu.wait_dma2 semaphore(%arg9 : memref<!tpu.dma_semaphore, #tpu.memory_space<semaphore_mem>>) src(%dma_wait3A_18 : memref<100001xf32, #tpu.memory_space<hbm>>) dst(%arg5 : memref<100001xf32, #tpu.memory_space<vmem>>)
    %parallel_loop3A = arith.constant 0 : i32
    %parallel_loop3A_19 = arith.constant 4096 : i32
    %parallel_loop3A_20 = arith.constant 16 : i32
    scf.for %parallel_loop3A_268 = %parallel_loop3A to %parallel_loop3A_19 step %parallel_loop3A_20  : i32 {
      %parallel_loop3A_269 = arith.constant 0 : i32
      %parallel_loop3A_270 = arith.addi %parallel_loop3A_269, %parallel_loop3A_268 : i32
      %parallel_loop3A_271 = arith.index_cast %parallel_loop3A_270 : i32 to index
      %parallel_loop3A_272 = tpu.vector_load %arg6[%parallel_loop3A_271] {strides = array<i32>} : memref<16384xi32, #tpu.memory_space<vmem>>, vector<16xi32>,
      %parallel_loop3A_273 = tpu.vector_load_idx %arg5[%parallel_loop3A_272] : memref<100001xf32, #tpu.memory_space<vmem>>[vector<16xi32>], vector<16xf32>,
      %parallel_loop3A_274 = arith.constant 0 : i32
      %parallel_loop3A_275 = arith.index_cast %parallel_loop3A_274 : i32 to index
      %parallel_loop3A_276 = arith.index_cast %parallel_loop3A_268 : i32 to index
      %parallel_loop3A_277 = tpu.vector_load %arg7[%parallel_loop3A_275, %parallel_loop3A_276] {strides = array<i32>} : memref<2x4096xf32, #tpu.memory_space<vmem>>, vector<16xf32>,
      tpu.vector_store %arg7[%parallel_loop3A_275, %parallel_loop3A_276], %parallel_loop3A_273 {strides = array<i32>} : memref<2x4096xf32, #tpu.memory_space<vmem>>, vector<16xf32>,
    } {sc.loop_unroll_factor = 8 : i64, sc.parallel_access}
    %dma_start3A_21 = arith.constant 0 : i32
    %dma_start3A_22 = arith.constant 0 : i32
    %dma_start3A_23 = tpu.memref_slice %arg7[%dma_start3A_21, %dma_start3A_22] : memref<2x4096xf32, #tpu.memory_space<vmem>> -> memref<1x4096xf32, #tpu.memory_space<vmem>>
    %dma_start3A_24 = tpu.memref_squeeze %dma_start3A_23 : memref<1x4096xf32, #tpu.memory_space<vmem>> -> memref<4096xf32, #tpu.memory_space<vmem>>
    %dma_start3A_25 = arith.constant 0 : i32
    %dma_start3A_26 = tpu.memref_slice %arg4[%add3A_13, %dma_start3A_25] : memref<64x16384xf32, #tpu.memory_space<hbm>> -> memref<1x4096xf32, #tpu.memory_space<hbm>>
    %dma_start3A_27 = tpu.memref_squeeze %dma_start3A_26 : memref<1x4096xf32, #tpu.memory_space<hbm>> -> memref<4096xf32, #tpu.memory_space<hbm>>
    %dma_start3A_28 = arith.constant 0 : i32
    %dma_start3A_29 = tpu.memref_slice %arg4[%add3A_13, %dma_start3A_28] : memref<64x16384xf32, #tpu.memory_space<hbm>> -> memref<1x4096xf32, #tpu.memory_space<hbm>>
    %dma_start3A_30 = tpu.memref_squeeze %dma_start3A_29 : memref<1x4096xf32, #tpu.memory_space<hbm>> -> memref<4096xf32, #tpu.memory_space<hbm>>
    %dma_start3A_31 = arith.constant 0 : i32
    %dma_start3A_32 = tpu.memref_slice %arg7[%dma_start3A_21, %dma_start3A_31] : memref<2x4096xf32, #tpu.memory_space<vmem>> -> memref<1x4096xf32, #tpu.memory_space<vmem>>
    %dma_start3A_33 = tpu.memref_squeeze %dma_start3A_32 : memref<1x4096xf32, #tpu.memory_space<vmem>> -> memref<4096xf32, #tpu.memory_space<vmem>>
    tpu.enqueue_dma source(%dma_start3A_33 : memref<4096xf32, #tpu.memory_space<vmem>>) target(%dma_start3A_30 : memref<4096xf32, #tpu.memory_space<hbm>>) target_semaphore(%arg10 : memref<!tpu.dma_semaphore, #tpu.memory_space<semaphore_mem>>)
    %parallel_loop3A_34 = arith.constant 0 : i32
    %parallel_loop3A_35 = arith.constant 4096 : i32
    %parallel_loop3A_36 = arith.constant 16 : i32
    scf.for %parallel_loop3A_268 = %parallel_loop3A_34 to %parallel_loop3A_35 step %parallel_loop3A_36  : i32 {
      %parallel_loop3A_269 = arith.constant 4096 : i32
      %parallel_loop3A_270 = arith.addi %parallel_loop3A_269, %parallel_loop3A_268 : i32
      %parallel_loop3A_271 = arith.index_cast %parallel_loop3A_270 : i32 to index
      %parallel_loop3A_272 = tpu.vector_load %arg6[%parallel_loop3A_271] {strides = array<i32>} : memref<16384xi32, #tpu.memory_space<vmem>>, vector<16xi32>,
      %parallel_loop3A_273 = tpu.vector_load_idx %arg5[%parallel_loop3A_272] : memref<100001xf32, #tpu.memory_space<vmem>>[vector<16xi32>], vector<16xf32>,
      %parallel_loop3A_274 = arith.constant 1 : i32
      %parallel_loop3A_275 = arith.index_cast %parallel_loop3A_274 : i32 to index
      %parallel_loop3A_276 = arith.index_cast %parallel_loop3A_268 : i32 to index
      %parallel_loop3A_277 = tpu.vector_load %arg7[%parallel_loop3A_275, %parallel_loop3A_276] {strides = array<i32>} : memref<2x4096xf32, #tpu.memory_space<vmem>>, vector<16xf32>,
      tpu.vector_store %arg7[%parallel_loop3A_275, %parallel_loop3A_276], %parallel_loop3A_273 {strides = array<i32>} : memref<2x4096xf32, #tpu.memory_space<vmem>>, vector<16xf32>,
    } {sc.loop_unroll_factor = 8 : i64, sc.parallel_access}
    %dma_start3A_37 = arith.constant 1 : i32
    %dma_start3A_38 = arith.constant 0 : i32
    %dma_start3A_39 = tpu.memref_slice %arg7[%dma_start3A_37, %dma_start3A_38] : memref<2x4096xf32, #tpu.memory_space<vmem>> -> memref<1x4096xf32, #tpu.memory_space<vmem>>
    %dma_start3A_40 = tpu.memref_squeeze %dma_start3A_39 : memref<1x4096xf32, #tpu.memory_space<vmem>> -> memref<4096xf32, #tpu.memory_space<vmem>>
    %dma_start3A_41 = arith.constant 4096 : i32
    %dma_start3A_42 = tpu.memref_slice %arg4[%add3A_13, %dma_start3A_41] : memref<64x16384xf32, #tpu.memory_space<hbm>> -> memref<1x4096xf32, #tpu.memory_space<hbm>>
    %dma_start3A_43 = tpu.memref_squeeze %dma_start3A_42 : memref<1x4096xf32, #tpu.memory_space<hbm>> -> memref<4096xf32, #tpu.memory_space<hbm>>
    %dma_start3A_44 = arith.constant 4096 : i32
    %dma_start3A_45 = tpu.memref_slice %arg4[%add3A_13, %dma_start3A_44] : memref<64x16384xf32, #tpu.memory_space<hbm>> -> memref<1x4096xf32, #tpu.memory_space<hbm>>
    %dma_start3A_46 = tpu.memref_squeeze %dma_start3A_45 : memref<1x4096xf32, #tpu.memory_space<hbm>> -> memref<4096xf32, #tpu.memory_space<hbm>>
    %dma_start3A_47 = arith.constant 0 : i32
    %dma_start3A_48 = tpu.memref_slice %arg7[%dma_start3A_37, %dma_start3A_47] : memref<2x4096xf32, #tpu.memory_space<vmem>> -> memref<1x4096xf32, #tpu.memory_space<vmem>>
    %dma_start3A_49 = tpu.memref_squeeze %dma_start3A_48 : memref<1x4096xf32, #tpu.memory_space<vmem>> -> memref<4096xf32, #tpu.memory_space<vmem>>
    tpu.enqueue_dma source(%dma_start3A_49 : memref<4096xf32, #tpu.memory_space<vmem>>) target(%dma_start3A_46 : memref<4096xf32, #tpu.memory_space<hbm>>) target_semaphore(%arg10 : memref<!tpu.dma_semaphore, #tpu.memory_space<semaphore_mem>>)
    %dma_wait3A_50 = arith.constant 0 : i32
    %dma_wait3A_51 = arith.constant 0 : i32
    %dma_wait3A_52 = tpu.memref_slice %arg7[%dma_wait3A_50, %dma_wait3A_51] : memref<2x4096xf32, #tpu.memory_space<vmem>> -> memref<1x4096xf32, #tpu.memory_space<vmem>>
    %dma_wait3A_53 = tpu.memref_squeeze %dma_wait3A_52 : memref<1x4096xf32, #tpu.memory_space<vmem>> -> memref<4096xf32, #tpu.memory_space<vmem>>
    %dma_wait3A_54 = arith.constant 0 : i32
    %dma_wait3A_55 = tpu.memref_slice %arg4[%add3A_13, %dma_wait3A_54] : memref<64x16384xf32, #tpu.memory_space<hbm>> -> memref<1x4096xf32, #tpu.memory_space<hbm>>
    %dma_wait3A_56 = tpu.memref_squeeze %dma_wait3A_55 : memref<1x4096xf32, #tpu.memory_space<hbm>> -> memref<4096xf32, #tpu.memory_space<hbm>>
    %dma_wait3A_57 = arith.constant 0 : i32
    %dma_wait3A_58 = tpu.memref_slice %arg4[%add3A_13, %dma_wait3A_57] : memref<64x16384xf32, #tpu.memory_space<hbm>> -> memref<1x4096xf32, #tpu.memory_space<hbm>>
    %dma_wait3A_59 = tpu.memref_squeeze %dma_wait3A_58 : memref<1x4096xf32, #tpu.memory_space<hbm>> -> memref<4096xf32, #tpu.memory_space<hbm>>
    %dma_wait3A_60 = arith.constant 0 : i32
    %dma_wait3A_61 = tpu.memref_slice %arg7[%dma_wait3A_50, %dma_wait3A_60] : memref<2x4096xf32, #tpu.memory_space<vmem>> -> memref<1x4096xf32, #tpu.memory_space<vmem>>
    %dma_wait3A_62 = tpu.memref_squeeze %dma_wait3A_61 : memref<1x4096xf32, #tpu.memory_space<vmem>> -> memref<4096xf32, #tpu.memory_space<vmem>>
    tpu.wait_dma2 semaphore(%arg10 : memref<!tpu.dma_semaphore, #tpu.memory_space<semaphore_mem>>) src(%dma_wait3A_62 : memref<4096xf32, #tpu.memory_space<vmem>>) dst(%dma_wait3A_59 : memref<4096xf32, #tpu.memory_space<hbm>>)
    %parallel_loop3A_63 = arith.constant 0 : i32
    %parallel_loop3A_64 = arith.constant 4096 : i32
    %parallel_loop3A_65 = arith.constant 16 : i32
    scf.for %parallel_loop3A_268 = %parallel_loop3A_63 to %parallel_loop3A_64 step %parallel_loop3A_65  : i32 {
      %parallel_loop3A_269 = arith.constant 8192 : i32
      %parallel_loop3A_270 = arith.addi %parallel_loop3A_269, %parallel_loop3A_268 : i32
      %parallel_loop3A_271 = arith.index_cast %parallel_loop3A_270 : i32 to index
      %parallel_loop3A_272 = tpu.vector_load %arg6[%parallel_loop3A_271] {strides = array<i32>} : memref<16384xi32, #tpu.memory_space<vmem>>, vector<16xi32>,
      %parallel_loop3A_273 = tpu.vector_load_idx %arg5[%parallel_loop3A_272] : memref<100001xf32, #tpu.memory_space<vmem>>[vector<16xi32>], vector<16xf32>,
      %parallel_loop3A_274 = arith.constant 0 : i32
      %parallel_loop3A_275 = arith.index_cast %parallel_loop3A_274 : i32 to index
      %parallel_loop3A_276 = arith.index_cast %parallel_loop3A_268 : i32 to index
      %parallel_loop3A_277 = tpu.vector_load %arg7[%parallel_loop3A_275, %parallel_loop3A_276] {strides = array<i32>} : memref<2x4096xf32, #tpu.memory_space<vmem>>, vector<16xf32>,
      tpu.vector_store %arg7[%parallel_loop3A_275, %parallel_loop3A_276], %parallel_loop3A_273 {strides = array<i32>} : memref<2x4096xf32, #tpu.memory_space<vmem>>, vector<16xf32>,
    } {sc.loop_unroll_factor = 8 : i64, sc.parallel_access}
    %dma_start3A_66 = arith.constant 0 : i32
    %dma_start3A_67 = arith.constant 0 : i32
    %dma_start3A_68 = tpu.memref_slice %arg7[%dma_start3A_66, %dma_start3A_67] : memref<2x4096xf32, #tpu.memory_space<vmem>> -> memref<1x4096xf32, #tpu.memory_space<vmem>>
    %dma_start3A_69 = tpu.memref_squeeze %dma_start3A_68 : memref<1x4096xf32, #tpu.memory_space<vmem>> -> memref<4096xf32, #tpu.memory_space<vmem>>
    %dma_start3A_70 = arith.constant 8192 : i32
    %dma_start3A_71 = tpu.memref_slice %arg4[%add3A_13, %dma_start3A_70] : memref<64x16384xf32, #tpu.memory_space<hbm>> -> memref<1x4096xf32, #tpu.memory_space<hbm>>
    %dma_start3A_72 = tpu.memref_squeeze %dma_start3A_71 : memref<1x4096xf32, #tpu.memory_space<hbm>> -> memref<4096xf32, #tpu.memory_space<hbm>>
    %dma_start3A_73 = arith.constant 8192 : i32
    %dma_start3A_74 = tpu.memref_slice %arg4[%add3A_13, %dma_start3A_73] : memref<64x16384xf32, #tpu.memory_space<hbm>> -> memref<1x4096xf32, #tpu.memory_space<hbm>>
    %dma_start3A_75 = tpu.memref_squeeze %dma_start3A_74 : memref<1x4096xf32, #tpu.memory_space<hbm>> -> memref<4096xf32, #tpu.memory_space<hbm>>
    %dma_start3A_76 = arith.constant 0 : i32
    %dma_start3A_77 = tpu.memref_slice %arg7[%dma_start3A_66, %dma_start3A_76] : memref<2x4096xf32, #tpu.memory_space<vmem>> -> memref<1x4096xf32, #tpu.memory_space<vmem>>
    %dma_start3A_78 = tpu.memref_squeeze %dma_start3A_77 : memref<1x4096xf32, #tpu.memory_space<vmem>> -> memref<4096xf32, #tpu.memory_space<vmem>>
    tpu.enqueue_dma source(%dma_start3A_78 : memref<4096xf32, #tpu.memory_space<vmem>>) target(%dma_start3A_75 : memref<4096xf32, #tpu.memory_space<hbm>>) target_semaphore(%arg10 : memref<!tpu.dma_semaphore, #tpu.memory_space<semaphore_mem>>)
    %dma_wait3A_79 = arith.constant 1 : i32
    %dma_wait3A_80 = arith.constant 0 : i32
    %dma_wait3A_81 = tpu.memref_slice %arg7[%dma_wait3A_79, %dma_wait3A_80] : memref<2x4096xf32, #tpu.memory_space<vmem>> -> memref<1x4096xf32, #tpu.memory_space<vmem>>
    %dma_wait3A_82 = tpu.memref_squeeze %dma_wait3A_81 : memref<1x4096xf32, #tpu.memory_space<vmem>> -> memref<4096xf32, #tpu.memory_space<vmem>>
    %dma_wait3A_83 = arith.constant 4096 : i32
    %dma_wait3A_84 = tpu.memref_slice %arg4[%add3A_13, %dma_wait3A_83] : memref<64x16384xf32, #tpu.memory_space<hbm>> -> memref<1x4096xf32, #tpu.memory_space<hbm>>
    %dma_wait3A_85 = tpu.memref_squeeze %dma_wait3A_84 : memref<1x4096xf32, #tpu.memory_space<hbm>> -> memref<4096xf32, #tpu.memory_space<hbm>>
    %dma_wait3A_86 = arith.constant 4096 : i32
    %dma_wait3A_87 = tpu.memref_slice %arg4[%add3A_13, %dma_wait3A_86] : memref<64x16384xf32, #tpu.memory_space<hbm>> -> memref<1x4096xf32, #tpu.memory_space<hbm>>
    %dma_wait3A_88 = tpu.memref_squeeze %dma_wait3A_87 : memref<1x4096xf32, #tpu.memory_space<hbm>> -> memref<4096xf32, #tpu.memory_space<hbm>>
    %dma_wait3A_89 = arith.constant 0 : i32
    %dma_wait3A_90 = tpu.memref_slice %arg7[%dma_wait3A_79, %dma_wait3A_89] : memref<2x4096xf32, #tpu.memory_space<vmem>> -> memref<1x4096xf32, #tpu.memory_space<vmem>>
    %dma_wait3A_91 = tpu.memref_squeeze %dma_wait3A_90 : memref<1x4096xf32, #tpu.memory_space<vmem>> -> memref<4096xf32, #tpu.memory_space<vmem>>
    tpu.wait_dma2 semaphore(%arg10 : memref<!tpu.dma_semaphore, #tpu.memory_space<semaphore_mem>>) src(%dma_wait3A_91 : memref<4096xf32, #tpu.memory_space<vmem>>) dst(%dma_wait3A_88 : memref<4096xf32, #tpu.memory_space<hbm>>)
    %parallel_loop3A_92 = arith.constant 0 : i32
    %parallel_loop3A_93 = arith.constant 4096 : i32
    %parallel_loop3A_94 = arith.constant 16 : i32
    scf.for %parallel_loop3A_268 = %parallel_loop3A_92 to %parallel_loop3A_93 step %parallel_loop3A_94  : i32 {
      %parallel_loop3A_269 = arith.constant 12288 : i32
      %parallel_loop3A_270 = arith.addi %parallel_loop3A_269, %parallel_loop3A_268 : i32
      %parallel_loop3A_271 = arith.index_cast %parallel_loop3A_270 : i32 to index
      %parallel_loop3A_272 = tpu.vector_load %arg6[%parallel_loop3A_271] {strides = array<i32>} : memref<16384xi32, #tpu.memory_space<vmem>>, vector<16xi32>,
      %parallel_loop3A_273 = tpu.vector_load_idx %arg5[%parallel_loop3A_272] : memref<100001xf32, #tpu.memory_space<vmem>>[vector<16xi32>], vector<16xf32>,
      %parallel_loop3A_274 = arith.constant 1 : i32
      %parallel_loop3A_275 = arith.index_cast %parallel_loop3A_274 : i32 to index
      %parallel_loop3A_276 = arith.index_cast %parallel_loop3A_268 : i32 to index
      %parallel_loop3A_277 = tpu.vector_load %arg7[%parallel_loop3A_275, %parallel_loop3A_276] {strides = array<i32>} : memref<2x4096xf32, #tpu.memory_space<vmem>>, vector<16xf32>,
      tpu.vector_store %arg7[%parallel_loop3A_275, %parallel_loop3A_276], %parallel_loop3A_273 {strides = array<i32>} : memref<2x4096xf32, #tpu.memory_space<vmem>>, vector<16xf32>,
    } {sc.loop_unroll_factor = 8 : i64, sc.parallel_access}
    %dma_start3A_95 = arith.constant 1 : i32
    %dma_start3A_96 = arith.constant 0 : i32
    %dma_start3A_97 = tpu.memref_slice %arg7[%dma_start3A_95, %dma_start3A_96] : memref<2x4096xf32, #tpu.memory_space<vmem>> -> memref<1x4096xf32, #tpu.memory_space<vmem>>
    %dma_start3A_98 = tpu.memref_squeeze %dma_start3A_97 : memref<1x4096xf32, #tpu.memory_space<vmem>> -> memref<4096xf32, #tpu.memory_space<vmem>>
    %dma_start3A_99 = arith.constant 12288 : i32
    %dma_start3A_100 = tpu.memref_slice %arg4[%add3A_13, %dma_start3A_99] : memref<64x16384xf32, #tpu.memory_space<hbm>> -> memref<1x4096xf32, #tpu.memory_space<hbm>>
    %dma_start3A_101 = tpu.memref_squeeze %dma_start3A_100 : memref<1x4096xf32, #tpu.memory_space<hbm>> -> memref<4096xf32, #tpu.memory_space<hbm>>
    %dma_start3A_102 = arith.constant 12288 : i32
    %dma_start3A_103 = tpu.memref_slice %arg4[%add3A_13, %dma_start3A_102] : memref<64x16384xf32, #tpu.memory_space<hbm>> -> memref<1x4096xf32, #tpu.memory_space<hbm>>
    %dma_start3A_104 = tpu.memref_squeeze %dma_start3A_103 : memref<1x4096xf32, #tpu.memory_space<hbm>> -> memref<4096xf32, #tpu.memory_space<hbm>>
    %dma_start3A_105 = arith.constant 0 : i32
    %dma_start3A_106 = tpu.memref_slice %arg7[%dma_start3A_95, %dma_start3A_105] : memref<2x4096xf32, #tpu.memory_space<vmem>> -> memref<1x4096xf32, #tpu.memory_space<vmem>>
    %dma_start3A_107 = tpu.memref_squeeze %dma_start3A_106 : memref<1x4096xf32, #tpu.memory_space<vmem>> -> memref<4096xf32, #tpu.memory_space<vmem>>
    tpu.enqueue_dma source(%dma_start3A_107 : memref<4096xf32, #tpu.memory_space<vmem>>) target(%dma_start3A_104 : memref<4096xf32, #tpu.memory_space<hbm>>) target_semaphore(%arg10 : memref<!tpu.dma_semaphore, #tpu.memory_space<semaphore_mem>>)
    %add3A_108 = arith.constant 1 : i32
    %add3A_109 = arith.addi %add3A_13, %add3A_108 : i32
    %dma_start3A_110 = arith.constant 0 : i32
    %dma_start3A_111 = tpu.memref_slice %arg3[%add3A_109, %dma_start3A_110] : memref<64x100001xf32, #tpu.memory_space<hbm>> -> memref<1x100001xf32, #tpu.memory_space<hbm>>
    %dma_start3A_112 = tpu.memref_squeeze %dma_start3A_111 : memref<1x100001xf32, #tpu.memory_space<hbm>> -> memref<100001xf32, #tpu.memory_space<hbm>>
    %dma_start3A_113 = arith.constant 0 : i32
    %dma_start3A_114 = tpu.memref_slice %arg3[%add3A_109, %dma_start3A_113] : memref<64x100001xf32, #tpu.memory_space<hbm>> -> memref<1x100001xf32, #tpu.memory_space<hbm>>
    %dma_start3A_115 = tpu.memref_squeeze %dma_start3A_114 : memref<1x100001xf32, #tpu.memory_space<hbm>> -> memref<100001xf32, #tpu.memory_space<hbm>>
    tpu.enqueue_dma source(%dma_start3A_115 : memref<100001xf32, #tpu.memory_space<hbm>>) target(%arg5 : memref<100001xf32, #tpu.memory_space<vmem>>) target_semaphore(%arg9 : memref<!tpu.dma_semaphore, #tpu.memory_space<semaphore_mem>>)
    %mul3A_116 = arith.constant 2 : i32
    %mul3A_117 = arith.muli %add3A, %mul3A_116 : i32
    %add3A_118 = arith.constant 1 : i32
    %add3A_119 = arith.addi %mul3A_117, %add3A_118 : i32
    %dma_wait3A_120 = arith.constant 0 : i32
    %dma_wait3A_121 = tpu.memref_slice %arg3[%add3A_109, %dma_wait3A_120] : memref<64x100001xf32, #tpu.memory_space<hbm>> -> memref<1x100001xf32, #tpu.memory_space<hbm>>
    %dma_wait3A_122 = tpu.memref_squeeze %dma_wait3A_121 : memref<1x100001xf32, #tpu.memory_space<hbm>> -> memref<100001xf32, #tpu.memory_space<hbm>>
    %dma_wait3A_123 = arith.constant 0 : i32
    %dma_wait3A_124 = tpu.memref_slice %arg3[%add3A_109, %dma_wait3A_123] : memref<64x100001xf32, #tpu.memory_space<hbm>> -> memref<1x100001xf32, #tpu.memory_space<hbm>>
    %dma_wait3A_125 = tpu.memref_squeeze %dma_wait3A_124 : memref<1x100001xf32, #tpu.memory_space<hbm>> -> memref<100001xf32, #tpu.memory_space<hbm>>
    tpu.wait_dma2 semaphore(%arg9 : memref<!tpu.dma_semaphore, #tpu.memory_space<semaphore_mem>>) src(%dma_wait3A_125 : memref<100001xf32, #tpu.memory_space<hbm>>) dst(%arg5 : memref<100001xf32, #tpu.memory_space<vmem>>)
    %dma_wait3A_126 = arith.constant 0 : i32
    %dma_wait3A_127 = arith.constant 0 : i32
    %dma_wait3A_128 = tpu.memref_slice %arg7[%dma_wait3A_126, %dma_wait3A_127] : memref<2x4096xf32, #tpu.memory_space<vmem>> -> memref<1x4096xf32, #tpu.memory_space<vmem>>
    %dma_wait3A_129 = tpu.memref_squeeze %dma_wait3A_128 : memref<1x4096xf32, #tpu.memory_space<vmem>> -> memref<4096xf32, #tpu.memory_space<vmem>>
    %dma_wait3A_130 = arith.constant 8192 : i32
    %dma_wait3A_131 = tpu.memref_slice %arg4[%add3A_13, %dma_wait3A_130] : memref<64x16384xf32, #tpu.memory_space<hbm>> -> memref<1x4096xf32, #tpu.memory_space<hbm>>
    %dma_wait3A_132 = tpu.memref_squeeze %dma_wait3A_131 : memref<1x4096xf32, #tpu.memory_space<hbm>> -> memref<4096xf32, #tpu.memory_space<hbm>>
    %dma_wait3A_133 = arith.constant 8192 : i32
    %dma_wait3A_134 = tpu.memref_slice %arg4[%add3A_13, %dma_wait3A_133] : memref<64x16384xf32, #tpu.memory_space<hbm>> -> memref<1x4096xf32, #tpu.memory_space<hbm>>
    %dma_wait3A_135 = tpu.memref_squeeze %dma_wait3A_134 : memref<1x4096xf32, #tpu.memory_space<hbm>> -> memref<4096xf32, #tpu.memory_space<hbm>>
    %dma_wait3A_136 = arith.constant 0 : i32
    %dma_wait3A_137 = tpu.memref_slice %arg7[%dma_wait3A_126, %dma_wait3A_136] : memref<2x4096xf32, #tpu.memory_space<vmem>> -> memref<1x4096xf32, #tpu.memory_space<vmem>>
    %dma_wait3A_138 = tpu.memref_squeeze %dma_wait3A_137 : memref<1x4096xf32, #tpu.memory_space<vmem>> -> memref<4096xf32, #tpu.memory_space<vmem>>
    tpu.wait_dma2 semaphore(%arg10 : memref<!tpu.dma_semaphore, #tpu.memory_space<semaphore_mem>>) src(%dma_wait3A_138 : memref<4096xf32, #tpu.memory_space<vmem>>) dst(%dma_wait3A_135 : memref<4096xf32, #tpu.memory_space<hbm>>)
    %parallel_loop3A_139 = arith.constant 0 : i32
    %parallel_loop3A_140 = arith.constant 4096 : i32
    %parallel_loop3A_141 = arith.constant 16 : i32
    scf.for %parallel_loop3A_268 = %parallel_loop3A_139 to %parallel_loop3A_140 step %parallel_loop3A_141  : i32 {
      %parallel_loop3A_269 = arith.constant 0 : i32
      %parallel_loop3A_270 = arith.addi %parallel_loop3A_269, %parallel_loop3A_268 : i32
      %parallel_loop3A_271 = arith.index_cast %parallel_loop3A_270 : i32 to index
      %parallel_loop3A_272 = tpu.vector_load %arg6[%parallel_loop3A_271] {strides = array<i32>} : memref<16384xi32, #tpu.memory_space<vmem>>, vector<16xi32>,
      %parallel_loop3A_273 = tpu.vector_load_idx %arg5[%parallel_loop3A_272] : memref<100001xf32, #tpu.memory_space<vmem>>[vector<16xi32>], vector<16xf32>,
      %parallel_loop3A_274 = arith.constant 0 : i32
      %parallel_loop3A_275 = arith.index_cast %parallel_loop3A_274 : i32 to index
      %parallel_loop3A_276 = arith.index_cast %parallel_loop3A_268 : i32 to index
      %parallel_loop3A_277 = tpu.vector_load %arg7[%parallel_loop3A_275, %parallel_loop3A_276] {strides = array<i32>} : memref<2x4096xf32, #tpu.memory_space<vmem>>, vector<16xf32>,
      tpu.vector_store %arg7[%parallel_loop3A_275, %parallel_loop3A_276], %parallel_loop3A_273 {strides = array<i32>} : memref<2x4096xf32, #tpu.memory_space<vmem>>, vector<16xf32>,
    } {sc.loop_unroll_factor = 8 : i64, sc.parallel_access}
    %dma_start3A_142 = arith.constant 0 : i32
    %dma_start3A_143 = arith.constant 0 : i32
    %dma_start3A_144 = tpu.memref_slice %arg7[%dma_start3A_142, %dma_start3A_143] : memref<2x4096xf32, #tpu.memory_space<vmem>> -> memref<1x4096xf32, #tpu.memory_space<vmem>>
    %dma_start3A_145 = tpu.memref_squeeze %dma_start3A_144 : memref<1x4096xf32, #tpu.memory_space<vmem>> -> memref<4096xf32, #tpu.memory_space<vmem>>
    %dma_start3A_146 = arith.constant 0 : i32
    %dma_start3A_147 = tpu.memref_slice %arg4[%add3A_119, %dma_start3A_146] : memref<64x16384xf32, #tpu.memory_space<hbm>> -> memref<1x4096xf32, #tpu.memory_space<hbm>>
    %dma_start3A_148 = tpu.memref_squeeze %dma_start3A_147 : memref<1x4096xf32, #tpu.memory_space<hbm>> -> memref<4096xf32, #tpu.memory_space<hbm>>
    %dma_start3A_149 = arith.constant 0 : i32
    %dma_start3A_150 = tpu.memref_slice %arg4[%add3A_119, %dma_start3A_149] : memref<64x16384xf32, #tpu.memory_space<hbm>> -> memref<1x4096xf32, #tpu.memory_space<hbm>>
    %dma_start3A_151 = tpu.memref_squeeze %dma_start3A_150 : memref<1x4096xf32, #tpu.memory_space<hbm>> -> memref<4096xf32, #tpu.memory_space<hbm>>
    %dma_start3A_152 = arith.constant 0 : i32
    %dma_start3A_153 = tpu.memref_slice %arg7[%dma_start3A_142, %dma_start3A_152] : memref<2x4096xf32, #tpu.memory_space<vmem>> -> memref<1x4096xf32, #tpu.memory_space<vmem>>
    %dma_start3A_154 = tpu.memref_squeeze %dma_start3A_153 : memref<1x4096xf32, #tpu.memory_space<vmem>> -> memref<4096xf32, #tpu.memory_space<vmem>>
    tpu.enqueue_dma source(%dma_start3A_154 : memref<4096xf32, #tpu.memory_space<vmem>>) target(%dma_start3A_151 : memref<4096xf32, #tpu.memory_space<hbm>>) target_semaphore(%arg10 : memref<!tpu.dma_semaphore, #tpu.memory_space<semaphore_mem>>)
    %dma_wait3A_155 = arith.constant 1 : i32
    %dma_wait3A_156 = arith.constant 0 : i32
    %dma_wait3A_157 = tpu.memref_slice %arg7[%dma_wait3A_155, %dma_wait3A_156] : memref<2x4096xf32, #tpu.memory_space<vmem>> -> memref<1x4096xf32, #tpu.memory_space<vmem>>
    %dma_wait3A_158 = tpu.memref_squeeze %dma_wait3A_157 : memref<1x4096xf32, #tpu.memory_space<vmem>> -> memref<4096xf32, #tpu.memory_space<vmem>>
    %dma_wait3A_159 = arith.constant 12288 : i32
    %dma_wait3A_160 = tpu.memref_slice %arg4[%add3A_13, %dma_wait3A_159] : memref<64x16384xf32, #tpu.memory_space<hbm>> -> memref<1x4096xf32, #tpu.memory_space<hbm>>
    %dma_wait3A_161 = tpu.memref_squeeze %dma_wait3A_160 : memref<1x4096xf32, #tpu.memory_space<hbm>> -> memref<4096xf32, #tpu.memory_space<hbm>>
    %dma_wait3A_162 = arith.constant 12288 : i32
    %dma_wait3A_163 = tpu.memref_slice %arg4[%add3A_13, %dma_wait3A_162] : memref<64x16384xf32, #tpu.memory_space<hbm>> -> memref<1x4096xf32, #tpu.memory_space<hbm>>
    %dma_wait3A_164 = tpu.memref_squeeze %dma_wait3A_163 : memref<1x4096xf32, #tpu.memory_space<hbm>> -> memref<4096xf32, #tpu.memory_space<hbm>>
    %dma_wait3A_165 = arith.constant 0 : i32
    %dma_wait3A_166 = tpu.memref_slice %arg7[%dma_wait3A_155, %dma_wait3A_165] : memref<2x4096xf32, #tpu.memory_space<vmem>> -> memref<1x4096xf32, #tpu.memory_space<vmem>>
    %dma_wait3A_167 = tpu.memref_squeeze %dma_wait3A_166 : memref<1x4096xf32, #tpu.memory_space<vmem>> -> memref<4096xf32, #tpu.memory_space<vmem>>
    tpu.wait_dma2 semaphore(%arg10 : memref<!tpu.dma_semaphore, #tpu.memory_space<semaphore_mem>>) src(%dma_wait3A_167 : memref<4096xf32, #tpu.memory_space<vmem>>) dst(%dma_wait3A_164 : memref<4096xf32, #tpu.memory_space<hbm>>)
    %parallel_loop3A_168 = arith.constant 0 : i32
    %parallel_loop3A_169 = arith.constant 4096 : i32
    %parallel_loop3A_170 = arith.constant 16 : i32
    scf.for %parallel_loop3A_268 = %parallel_loop3A_168 to %parallel_loop3A_169 step %parallel_loop3A_170  : i32 {
      %parallel_loop3A_269 = arith.constant 4096 : i32
      %parallel_loop3A_270 = arith.addi %parallel_loop3A_269, %parallel_loop3A_268 : i32
      %parallel_loop3A_271 = arith.index_cast %parallel_loop3A_270 : i32 to index
      %parallel_loop3A_272 = tpu.vector_load %arg6[%parallel_loop3A_271] {strides = array<i32>} : memref<16384xi32, #tpu.memory_space<vmem>>, vector<16xi32>,
      %parallel_loop3A_273 = tpu.vector_load_idx %arg5[%parallel_loop3A_272] : memref<100001xf32, #tpu.memory_space<vmem>>[vector<16xi32>], vector<16xf32>,
      %parallel_loop3A_274 = arith.constant 1 : i32
      %parallel_loop3A_275 = arith.index_cast %parallel_loop3A_274 : i32 to index
      %parallel_loop3A_276 = arith.index_cast %parallel_loop3A_268 : i32 to index
      %parallel_loop3A_277 = tpu.vector_load %arg7[%parallel_loop3A_275, %parallel_loop3A_276] {strides = array<i32>} : memref<2x4096xf32, #tpu.memory_space<vmem>>, vector<16xf32>,
      tpu.vector_store %arg7[%parallel_loop3A_275, %parallel_loop3A_276], %parallel_loop3A_273 {strides = array<i32>} : memref<2x4096xf32, #tpu.memory_space<vmem>>, vector<16xf32>,
    } {sc.loop_unroll_factor = 8 : i64, sc.parallel_access}
    %dma_start3A_171 = arith.constant 1 : i32
    %dma_start3A_172 = arith.constant 0 : i32
    %dma_start3A_173 = tpu.memref_slice %arg7[%dma_start3A_171, %dma_start3A_172] : memref<2x4096xf32, #tpu.memory_space<vmem>> -> memref<1x4096xf32, #tpu.memory_space<vmem>>
    %dma_start3A_174 = tpu.memref_squeeze %dma_start3A_173 : memref<1x4096xf32, #tpu.memory_space<vmem>> -> memref<4096xf32, #tpu.memory_space<vmem>>
    %dma_start3A_175 = arith.constant 4096 : i32
    %dma_start3A_176 = tpu.memref_slice %arg4[%add3A_119, %dma_start3A_175] : memref<64x16384xf32, #tpu.memory_space<hbm>> -> memref<1x4096xf32, #tpu.memory_space<hbm>>
    %dma_start3A_177 = tpu.memref_squeeze %dma_start3A_176 : memref<1x4096xf32, #tpu.memory_space<hbm>> -> memref<4096xf32, #tpu.memory_space<hbm>>
    %dma_start3A_178 = arith.constant 4096 : i32
    %dma_start3A_179 = tpu.memref_slice %arg4[%add3A_119, %dma_start3A_178] : memref<64x16384xf32, #tpu.memory_space<hbm>> -> memref<1x4096xf32, #tpu.memory_space<hbm>>
    %dma_start3A_180 = tpu.memref_squeeze %dma_start3A_179 : memref<1x4096xf32, #tpu.memory_space<hbm>> -> memref<4096xf32, #tpu.memory_space<hbm>>
    %dma_start3A_181 = arith.constant 0 : i32
    %dma_start3A_182 = tpu.memref_slice %arg7[%dma_start3A_171, %dma_start3A_181] : memref<2x4096xf32, #tpu.memory_space<vmem>> -> memref<1x4096xf32, #tpu.memory_space<vmem>>
    %dma_start3A_183 = tpu.memref_squeeze %dma_start3A_182 : memref<1x4096xf32, #tpu.memory_space<vmem>> -> memref<4096xf32, #tpu.memory_space<vmem>>
    tpu.enqueue_dma source(%dma_start3A_183 : memref<4096xf32, #tpu.memory_space<vmem>>) target(%dma_start3A_180 : memref<4096xf32, #tpu.memory_space<hbm>>) target_semaphore(%arg10 : memref<!tpu.dma_semaphore, #tpu.memory_space<semaphore_mem>>)
    %dma_wait3A_184 = arith.constant 0 : i32
    %dma_wait3A_185 = arith.constant 0 : i32
    %dma_wait3A_186 = tpu.memref_slice %arg7[%dma_wait3A_184, %dma_wait3A_185] : memref<2x4096xf32, #tpu.memory_space<vmem>> -> memref<1x4096xf32, #tpu.memory_space<vmem>>
    %dma_wait3A_187 = tpu.memref_squeeze %dma_wait3A_186 : memref<1x4096xf32, #tpu.memory_space<vmem>> -> memref<4096xf32, #tpu.memory_space<vmem>>
    %dma_wait3A_188 = arith.constant 0 : i32
    %dma_wait3A_189 = tpu.memref_slice %arg4[%add3A_119, %dma_wait3A_188] : memref<64x16384xf32, #tpu.memory_space<hbm>> -> memref<1x4096xf32, #tpu.memory_space<hbm>>
    %dma_wait3A_190 = tpu.memref_squeeze %dma_wait3A_189 : memref<1x4096xf32, #tpu.memory_space<hbm>> -> memref<4096xf32, #tpu.memory_space<hbm>>
    %dma_wait3A_191 = arith.constant 0 : i32
    %dma_wait3A_192 = tpu.memref_slice %arg4[%add3A_119, %dma_wait3A_191] : memref<64x16384xf32, #tpu.memory_space<hbm>> -> memref<1x4096xf32, #tpu.memory_space<hbm>>
    %dma_wait3A_193 = tpu.memref_squeeze %dma_wait3A_192 : memref<1x4096xf32, #tpu.memory_space<hbm>> -> memref<4096xf32, #tpu.memory_space<hbm>>
    %dma_wait3A_194 = arith.constant 0 : i32
    %dma_wait3A_195 = tpu.memref_slice %arg7[%dma_wait3A_184, %dma_wait3A_194] : memref<2x4096xf32, #tpu.memory_space<vmem>> -> memref<1x4096xf32, #tpu.memory_space<vmem>>
    %dma_wait3A_196 = tpu.memref_squeeze %dma_wait3A_195 : memref<1x4096xf32, #tpu.memory_space<vmem>> -> memref<4096xf32, #tpu.memory_space<vmem>>
    tpu.wait_dma2 semaphore(%arg10 : memref<!tpu.dma_semaphore, #tpu.memory_space<semaphore_mem>>) src(%dma_wait3A_196 : memref<4096xf32, #tpu.memory_space<vmem>>) dst(%dma_wait3A_193 : memref<4096xf32, #tpu.memory_space<hbm>>)
    %parallel_loop3A_197 = arith.constant 0 : i32
    %parallel_loop3A_198 = arith.constant 4096 : i32
    %parallel_loop3A_199 = arith.constant 16 : i32
    scf.for %parallel_loop3A_268 = %parallel_loop3A_197 to %parallel_loop3A_198 step %parallel_loop3A_199  : i32 {
      %parallel_loop3A_269 = arith.constant 8192 : i32
      %parallel_loop3A_270 = arith.addi %parallel_loop3A_269, %parallel_loop3A_268 : i32
      %parallel_loop3A_271 = arith.index_cast %parallel_loop3A_270 : i32 to index
      %parallel_loop3A_272 = tpu.vector_load %arg6[%parallel_loop3A_271] {strides = array<i32>} : memref<16384xi32, #tpu.memory_space<vmem>>, vector<16xi32>,
      %parallel_loop3A_273 = tpu.vector_load_idx %arg5[%parallel_loop3A_272] : memref<100001xf32, #tpu.memory_space<vmem>>[vector<16xi32>], vector<16xf32>,
      %parallel_loop3A_274 = arith.constant 0 : i32
      %parallel_loop3A_275 = arith.index_cast %parallel_loop3A_274 : i32 to index
      %parallel_loop3A_276 = arith.index_cast %parallel_loop3A_268 : i32 to index
      %parallel_loop3A_277 = tpu.vector_load %arg7[%parallel_loop3A_275, %parallel_loop3A_276] {strides = array<i32>} : memref<2x4096xf32, #tpu.memory_space<vmem>>, vector<16xf32>,
      tpu.vector_store %arg7[%parallel_loop3A_275, %parallel_loop3A_276], %parallel_loop3A_273 {strides = array<i32>} : memref<2x4096xf32, #tpu.memory_space<vmem>>, vector<16xf32>,
    } {sc.loop_unroll_factor = 8 : i64, sc.parallel_access}
    %dma_start3A_200 = arith.constant 0 : i32
    %dma_start3A_201 = arith.constant 0 : i32
    %dma_start3A_202 = tpu.memref_slice %arg7[%dma_start3A_200, %dma_start3A_201] : memref<2x4096xf32, #tpu.memory_space<vmem>> -> memref<1x4096xf32, #tpu.memory_space<vmem>>
    %dma_start3A_203 = tpu.memref_squeeze %dma_start3A_202 : memref<1x4096xf32, #tpu.memory_space<vmem>> -> memref<4096xf32, #tpu.memory_space<vmem>>
    %dma_start3A_204 = arith.constant 8192 : i32
    %dma_start3A_205 = tpu.memref_slice %arg4[%add3A_119, %dma_start3A_204] : memref<64x16384xf32, #tpu.memory_space<hbm>> -> memref<1x4096xf32, #tpu.memory_space<hbm>>
    %dma_start3A_206 = tpu.memref_squeeze %dma_start3A_205 : memref<1x4096xf32, #tpu.memory_space<hbm>> -> memref<4096xf32, #tpu.memory_space<hbm>>
    %dma_start3A_207 = arith.constant 8192 : i32
    %dma_start3A_208 = tpu.memref_slice %arg4[%add3A_119, %dma_start3A_207] : memref<64x16384xf32, #tpu.memory_space<hbm>> -> memref<1x4096xf32, #tpu.memory_space<hbm>>
    %dma_start3A_209 = tpu.memref_squeeze %dma_start3A_208 : memref<1x4096xf32, #tpu.memory_space<hbm>> -> memref<4096xf32, #tpu.memory_space<hbm>>
    %dma_start3A_210 = arith.constant 0 : i32
    %dma_start3A_211 = tpu.memref_slice %arg7[%dma_start3A_200, %dma_start3A_210] : memref<2x4096xf32, #tpu.memory_space<vmem>> -> memref<1x4096xf32, #tpu.memory_space<vmem>>
    %dma_start3A_212 = tpu.memref_squeeze %dma_start3A_211 : memref<1x4096xf32, #tpu.memory_space<vmem>> -> memref<4096xf32, #tpu.memory_space<vmem>>
    tpu.enqueue_dma source(%dma_start3A_212 : memref<4096xf32, #tpu.memory_space<vmem>>) target(%dma_start3A_209 : memref<4096xf32, #tpu.memory_space<hbm>>) target_semaphore(%arg10 : memref<!tpu.dma_semaphore, #tpu.memory_space<semaphore_mem>>)
    %dma_wait3A_213 = arith.constant 1 : i32
    %dma_wait3A_214 = arith.constant 0 : i32
    %dma_wait3A_215 = tpu.memref_slice %arg7[%dma_wait3A_213, %dma_wait3A_214] : memref<2x4096xf32, #tpu.memory_space<vmem>> -> memref<1x4096xf32, #tpu.memory_space<vmem>>
    %dma_wait3A_216 = tpu.memref_squeeze %dma_wait3A_215 : memref<1x4096xf32, #tpu.memory_space<vmem>> -> memref<4096xf32, #tpu.memory_space<vmem>>
    %dma_wait3A_217 = arith.constant 4096 : i32
    %dma_wait3A_218 = tpu.memref_slice %arg4[%add3A_119, %dma_wait3A_217] : memref<64x16384xf32, #tpu.memory_space<hbm>> -> memref<1x4096xf32, #tpu.memory_space<hbm>>
    %dma_wait3A_219 = tpu.memref_squeeze %dma_wait3A_218 : memref<1x4096xf32, #tpu.memory_space<hbm>> -> memref<4096xf32, #tpu.memory_space<hbm>>
    %dma_wait3A_220 = arith.constant 4096 : i32
    %dma_wait3A_221 = tpu.memref_slice %arg4[%add3A_119, %dma_wait3A_220] : memref<64x16384xf32, #tpu.memory_space<hbm>> -> memref<1x4096xf32, #tpu.memory_space<hbm>>
    %dma_wait3A_222 = tpu.memref_squeeze %dma_wait3A_221 : memref<1x4096xf32, #tpu.memory_space<hbm>> -> memref<4096xf32, #tpu.memory_space<hbm>>
    %dma_wait3A_223 = arith.constant 0 : i32
    %dma_wait3A_224 = tpu.memref_slice %arg7[%dma_wait3A_213, %dma_wait3A_223] : memref<2x4096xf32, #tpu.memory_space<vmem>> -> memref<1x4096xf32, #tpu.memory_space<vmem>>
    %dma_wait3A_225 = tpu.memref_squeeze %dma_wait3A_224 : memref<1x4096xf32, #tpu.memory_space<vmem>> -> memref<4096xf32, #tpu.memory_space<vmem>>
    tpu.wait_dma2 semaphore(%arg10 : memref<!tpu.dma_semaphore, #tpu.memory_space<semaphore_mem>>) src(%dma_wait3A_225 : memref<4096xf32, #tpu.memory_space<vmem>>) dst(%dma_wait3A_222 : memref<4096xf32, #tpu.memory_space<hbm>>)
    %parallel_loop3A_226 = arith.constant 0 : i32
    %parallel_loop3A_227 = arith.constant 4096 : i32
    %parallel_loop3A_228 = arith.constant 16 : i32
    scf.for %parallel_loop3A_268 = %parallel_loop3A_226 to %parallel_loop3A_227 step %parallel_loop3A_228  : i32 {
      %parallel_loop3A_269 = arith.constant 12288 : i32
      %parallel_loop3A_270 = arith.addi %parallel_loop3A_269, %parallel_loop3A_268 : i32
      %parallel_loop3A_271 = arith.index_cast %parallel_loop3A_270 : i32 to index
      %parallel_loop3A_272 = tpu.vector_load %arg6[%parallel_loop3A_271] {strides = array<i32>} : memref<16384xi32, #tpu.memory_space<vmem>>, vector<16xi32>,
      %parallel_loop3A_273 = tpu.vector_load_idx %arg5[%parallel_loop3A_272] : memref<100001xf32, #tpu.memory_space<vmem>>[vector<16xi32>], vector<16xf32>,
      %parallel_loop3A_274 = arith.constant 1 : i32
      %parallel_loop3A_275 = arith.index_cast %parallel_loop3A_274 : i32 to index
      %parallel_loop3A_276 = arith.index_cast %parallel_loop3A_268 : i32 to index
      %parallel_loop3A_277 = tpu.vector_load %arg7[%parallel_loop3A_275, %parallel_loop3A_276] {strides = array<i32>} : memref<2x4096xf32, #tpu.memory_space<vmem>>, vector<16xf32>,
      tpu.vector_store %arg7[%parallel_loop3A_275, %parallel_loop3A_276], %parallel_loop3A_273 {strides = array<i32>} : memref<2x4096xf32, #tpu.memory_space<vmem>>, vector<16xf32>,
    } {sc.loop_unroll_factor = 8 : i64, sc.parallel_access}
    %dma_start3A_229 = arith.constant 1 : i32
    %dma_start3A_230 = arith.constant 0 : i32
    %dma_start3A_231 = tpu.memref_slice %arg7[%dma_start3A_229, %dma_start3A_230] : memref<2x4096xf32, #tpu.memory_space<vmem>> -> memref<1x4096xf32, #tpu.memory_space<vmem>>
    %dma_start3A_232 = tpu.memref_squeeze %dma_start3A_231 : memref<1x4096xf32, #tpu.memory_space<vmem>> -> memref<4096xf32, #tpu.memory_space<vmem>>
    %dma_start3A_233 = arith.constant 12288 : i32
    %dma_start3A_234 = tpu.memref_slice %arg4[%add3A_119, %dma_start3A_233] : memref<64x16384xf32, #tpu.memory_space<hbm>> -> memref<1x4096xf32, #tpu.memory_space<hbm>>
    %dma_start3A_235 = tpu.memref_squeeze %dma_start3A_234 : memref<1x4096xf32, #tpu.memory_space<hbm>> -> memref<4096xf32, #tpu.memory_space<hbm>>
    %dma_start3A_236 = arith.constant 12288 : i32
    %dma_start3A_237 = tpu.memref_slice %arg4[%add3A_119, %dma_start3A_236] : memref<64x16384xf32, #tpu.memory_space<hbm>> -> memref<1x4096xf32, #tpu.memory_space<hbm>>
    %dma_start3A_238 = tpu.memref_squeeze %dma_start3A_237 : memref<1x4096xf32, #tpu.memory_space<hbm>> -> memref<4096xf32, #tpu.memory_space<hbm>>
    %dma_start3A_239 = arith.constant 0 : i32
    %dma_start3A_240 = tpu.memref_slice %arg7[%dma_start3A_229, %dma_start3A_239] : memref<2x4096xf32, #tpu.memory_space<vmem>> -> memref<1x4096xf32, #tpu.memory_space<vmem>>
    %dma_start3A_241 = tpu.memref_squeeze %dma_start3A_240 : memref<1x4096xf32, #tpu.memory_space<vmem>> -> memref<4096xf32, #tpu.memory_space<vmem>>
    tpu.enqueue_dma source(%dma_start3A_241 : memref<4096xf32, #tpu.memory_space<vmem>>) target(%dma_start3A_238 : memref<4096xf32, #tpu.memory_space<hbm>>) target_semaphore(%arg10 : memref<!tpu.dma_semaphore, #tpu.memory_space<semaphore_mem>>)
    %dma_wait3A_242 = arith.constant 0 : i32
    %dma_wait3A_243 = arith.constant 0 : i32
    %dma_wait3A_244 = tpu.memref_slice %arg7[%dma_wait3A_242, %dma_wait3A_243] : memref<2x4096xf32, #tpu.memory_space<vmem>> -> memref<1x4096xf32, #tpu.memory_space<vmem>>
    %dma_wait3A_245 = tpu.memref_squeeze %dma_wait3A_244 : memref<1x4096xf32, #tpu.memory_space<vmem>> -> memref<4096xf32, #tpu.memory_space<vmem>>
    %dma_wait3A_246 = arith.constant 8192 : i32
    %dma_wait3A_247 = tpu.memref_slice %arg4[%add3A_119, %dma_wait3A_246] : memref<64x16384xf32, #tpu.memory_space<hbm>> -> memref<1x4096xf32, #tpu.memory_space<hbm>>
    %dma_wait3A_248 = tpu.memref_squeeze %dma_wait3A_247 : memref<1x4096xf32, #tpu.memory_space<hbm>> -> memref<4096xf32, #tpu.memory_space<hbm>>
    %dma_wait3A_249 = arith.constant 8192 : i32
    %dma_wait3A_250 = tpu.memref_slice %arg4[%add3A_119, %dma_wait3A_249] : memref<64x16384xf32, #tpu.memory_space<hbm>> -> memref<1x4096xf32, #tpu.memory_space<hbm>>
    %dma_wait3A_251 = tpu.memref_squeeze %dma_wait3A_250 : memref<1x4096xf32, #tpu.memory_space<hbm>> -> memref<4096xf32, #tpu.memory_space<hbm>>
    %dma_wait3A_252 = arith.constant 0 : i32
    %dma_wait3A_253 = tpu.memref_slice %arg7[%dma_wait3A_242, %dma_wait3A_252] : memref<2x4096xf32, #tpu.memory_space<vmem>> -> memref<1x4096xf32, #tpu.memory_space<vmem>>
    %dma_wait3A_254 = tpu.memref_squeeze %dma_wait3A_253 : memref<1x4096xf32, #tpu.memory_space<vmem>> -> memref<4096xf32, #tpu.memory_space<vmem>>
    tpu.wait_dma2 semaphore(%arg10 : memref<!tpu.dma_semaphore, #tpu.memory_space<semaphore_mem>>) src(%dma_wait3A_254 : memref<4096xf32, #tpu.memory_space<vmem>>) dst(%dma_wait3A_251 : memref<4096xf32, #tpu.memory_space<hbm>>)
    %dma_wait3A_255 = arith.constant 1 : i32
    %dma_wait3A_256 = arith.constant 0 : i32
    %dma_wait3A_257 = tpu.memref_slice %arg7[%dma_wait3A_255, %dma_wait3A_256] : memref<2x4096xf32, #tpu.memory_space<vmem>> -> memref<1x4096xf32, #tpu.memory_space<vmem>>
    %dma_wait3A_258 = tpu.memref_squeeze %dma_wait3A_257 : memref<1x4096xf32, #tpu.memory_space<vmem>> -> memref<4096xf32, #tpu.memory_space<vmem>>
    %dma_wait3A_259 = arith.constant 12288 : i32
    %dma_wait3A_260 = tpu.memref_slice %arg4[%add3A_119, %dma_wait3A_259] : memref<64x16384xf32, #tpu.memory_space<hbm>> -> memref<1x4096xf32, #tpu.memory_space<hbm>>
    %dma_wait3A_261 = tpu.memref_squeeze %dma_wait3A_260 : memref<1x4096xf32, #tpu.memory_space<hbm>> -> memref<4096xf32, #tpu.memory_space<hbm>>
    %dma_wait3A_262 = arith.constant 12288 : i32
    %dma_wait3A_263 = tpu.memref_slice %arg4[%add3A_119, %dma_wait3A_262] : memref<64x16384xf32, #tpu.memory_space<hbm>> -> memref<1x4096xf32, #tpu.memory_space<hbm>>
    %dma_wait3A_264 = tpu.memref_squeeze %dma_wait3A_263 : memref<1x4096xf32, #tpu.memory_space<hbm>> -> memref<4096xf32, #tpu.memory_space<hbm>>
    %dma_wait3A_265 = arith.constant 0 : i32
    %dma_wait3A_266 = tpu.memref_slice %arg7[%dma_wait3A_255, %dma_wait3A_265] : memref<2x4096xf32, #tpu.memory_space<vmem>> -> memref<1x4096xf32, #tpu.memory_space<vmem>>
    %dma_wait3A_267 = tpu.memref_squeeze %dma_wait3A_266 : memref<1x4096xf32, #tpu.memory_space<vmem>> -> memref<4096xf32, #tpu.memory_space<vmem>>
    tpu.wait_dma2 semaphore(%arg10 : memref<!tpu.dma_semaphore, #tpu.memory_space<semaphore_mem>>) src(%dma_wait3A_267 : memref<4096xf32, #tpu.memory_space<vmem>>) dst(%dma_wait3A_264 : memref<4096xf32, #tpu.memory_space<hbm>>)
    return
  }
}

</mosaic_0001>

<sc_bundles>
// kernel: _gather.3.cloned.1.call-start
scs
__scs_entry_jumppad:
0x0: {  	(pc) =	sbr.rel $0x88, $3  }
0x1: {  	(tag) =	ssettag $0x0;
	lr =	simm.s32 $0x1  }
0x2: {  	[smem:$0x3F9F] =	sst lr;
	_ =	strace $0xD0000000  }
0x3: {  	_ = 	snop  }
0x4: {  	_ = 	snop  }
0x5: {  	_ = 	snop  }
0x6: {  	_ = 	snop  }
0x7: {  	_ = 	snop  }
__scs_overlays_trampoline_lowered:
0x8: {  	[smem:$0x3FAE] =	sst s0  }
0x9: {  	[smem:$0x3FAF] =	sst s1  }
0xa: {  	[smem:$0x3FB0] =	sst s2  }
0xb: {  	[smem:$0x3FB1] =	sst s3  }
0xc: {  	[smem:$0x3FB2] =	sst s4  }
0xd: {  	[smem:$0x3FB3] =	sst s5  }
0xe: {  	[smem:$0x3FB4] =	sst s6  }
0xf: {  	[smem:$0x3FB5] =	sst s7  }
0x10: {  	[smem:$0x3FB6] =	sst s8  }
0x11: {  	[smem:$0x3FB7] =	sst s9;
	s0 =	simm.s32 @!p0 $0x0  }
0x12: {  	s1 =	sld [smem:$0x3F9D];
	s0 =	simm.s32 @p0 $0x1  }
0x13: {  	[smem:$0x3FB8] =	sst s0;
	s0 =	simm.s32 @!p1 $0x0  }
0x14: {  	s2 =	sld [smem:$0x3F9C];
	s0 =	simm.s32 @p1 $0x1  }
0x15: {  	[smem:$0x3FB9] =	sst s0;
	s0 =	simm.s32 @!p2 $0x0  }
0x16: {  	s3 =	sld [smem:$0x3FDB];
	s0 =	simm.s32 @p2 $0x1  }
0x17: {  	s4 =	simm.s32 $0x1BF5;
	[smem:$0x3FBB] =	sst s0  }
0x18: {  	s0 =	sld [smem:$0x3F9E];
	_ =	swait.ge [sflag:s4], $0x0  }
0x19: {  	s7 =	sld [smem:$0x3F9F]  }
0x1a: {  	s8 =	sadd.s32 $0xFFFFE003, lr  }
0x1b: {  	s9 =	sadd.s32 $0xFFFFFEF7, lr;
	s5 =	simm.s32 $0xFFFFFFFF;
	p2 =	slt.u32 s8, $0xFFFFF086  }
0x1c: {  	p1 =	slt.u32 s9, $0xF7A;
	s5 =	simm.s32 @!p2 $0x0  }
0x1d: {  	s5 =	simm.s32 @p1 $0x1;
	p0 =	seq.s32 s7, s2  }
0x1e: {  	s7 =	smul.u32 @!p0 $0xF7A, s2;
	p2 =	seq.s32 @!p0 s5, $0x0  }
0x1f: {  	s9 =	smul.u32 $0xF7A, s1;
	s8 =	simm.s32 @!p0 $0x1BF5;
	p2 =	por !p2, p0  }
0x20: {  	[sflag:s8] =	ssyncset.s32 @!p0 $0xFFFFF086;
	s6 =	sadd.s32 @!p0 s3, s7;
	s7 =	simm.s32 @!p0 $0x108  }
0x21: {  	s3 =	sadd.s32 s3, s9;
	s6 =	sadd.s32 @!p0 $0x88, s6;
	s7 =	simm.s32 @p2 $0x1082  }
0x22: {  	[simem:s7], [sflag:s8] =	dma.local @!p0 [hbm:s6], $0xF7A  }
0x23: {  	s9 =	sor.u32 $0xD0000000, s2;
	s6 =	simm.s32 $0x108;
	_ =	swait.ge @!p0 [sflag:s8], $0x0  }
0x24: {  	s3 =	sadd.s32 $0x88, s3;
	s6 =	simm.s32 @!p1 $0x1082;
	[sflag:s4] =	ssyncset.s32 $0xFFFFF086  }
0x25: {  	[simem:s6], [sflag:s4] =	dma.local [hbm:s3], $0xF7A  }
0x26: {  	[smem:$0x3F9F] =	sst s1;
	(tag) =	ssettag s2;
	_ =	strace s9  }
0x27: {  	s1 =	sld [smem:$0x3FAF]  }
0x28: {  	s2 =	sld [smem:$0x3FB0]  }
0x29: {  	s4 =	sld [smem:$0x3FB2]  }
0x2a: {  	p0 =	seq.s32 s5, $0x0;
	s5 =	sld [smem:$0x3FB3]  }
0x2b: {  	s6 =	sld [smem:$0x3FB4]  }
0x2c: {  	s7 =	sld [smem:$0x3FB5]  }
0x2d: {  	s3 =	simm.s32 $0x108;
	s8 =	sld [smem:$0x3FB6]  }
0x2e: {  	s3 =	simm.s32 @!p0 $0x1082;
	s9 =	sld [smem:$0x3FB7]  }
0x2f: {  	lr =	sadd.s32 s0, s3;
	s0 =	sld [smem:$0x3FAE]  }
0x30: {  	s3 =	sld [smem:$0x3FB1]  }
0x31: {  	[smem:$0x3FBA] =	sst s10  }
0x32: {  	s10 =	sld [smem:$0x3FB8];
	_ =	sdelay $0x3  }
0x33: {  	p0 =	seq.s32 s10, $0x1;
	s10 =	sld [smem:$0x3FBA];
	_ =	sdelay $0x3  }
0x34: {  	[smem:$0x3FBA] =	sst s10  }
0x35: {  	s10 =	sld [smem:$0x3FB9];
	_ =	sdelay $0x3  }
0x36: {  	p1 =	seq.s32 s10, $0x1;
	s10 =	sld [smem:$0x3FBA];
	_ =	sdelay $0x3  }
0x37: {  	[smem:$0x3FBA] =	sst s10  }
0x38: {  	s10 =	sld [smem:$0x3FBB]  }
0x39: {  	_ = 	snop;
	(pc) =	sbr.ind lr, $3  }
0x3a: {  	_ = 	snop  }
0x3b: {  	_ = 	snop  }
0x3c: {  	p2 =	seq.s32 s10, $0x1;
	s10 =	sld [smem:$0x3FBA]  }
0x3d: {  	_ =	shalt  }
0x3e: {  	_ =	shalt  }
0x3f: {  	_ =	shalt  }
0x40: {  	_ =	shalt  }
0x41: {  	_ =	shalt  }
0x42: {  	_ =	shalt  }
0x43: {  	_ =	shalt  }
0x44: {  	_ =	shalt  }
0x45: {  	_ =	shalt  }
0x46: {  	_ =	shalt  }
0x47: {  	_ =	shalt  }
0x48: {  	_ =	shalt  }
0x49: {  	_ =	shalt  }
0x4a: {  	_ =	shalt  }
0x4b: {  	_ =	shalt  }
0x4c: {  	_ =	shalt  }
0x4d: {  	_ =	shalt  }
0x4e: {  	_ =	shalt  }
0x4f: {  	_ =	shalt  }
0x50: {  	_ =	shalt  }
0x51: {  	_ =	shalt  }
0x52: {  	_ =	shalt  }
0x53: {  	_ =	shalt  }
0x54: {  	_ =	shalt  }
0x55: {  	_ =	shalt  }
0x56: {  	_ =	shalt  }
0x57: {  	_ =	shalt  }
0x58: {  	_ =	shalt  }
0x59: {  	_ =	shalt  }
0x5a: {  	_ =	shalt  }
0x5b: {  	_ =	shalt  }
0x5c: {  	_ =	shalt  }
0x5d: {  	_ =	shalt  }
0x5e: {  	_ =	shalt  }
0x5f: {  	_ =	shalt  }
0x60: {  	_ =	shalt  }
0x61: {  	_ =	shalt  }
0x62: {  	_ =	shalt  }
0x63: {  	_ =	shalt  }
0x64: {  	_ =	shalt  }
0x65: {  	_ =	shalt  }
0x66: {  	_ =	shalt  }
0x67: {  	_ =	shalt  }
0x68: {  	_ =	shalt  }
0x69: {  	_ =	shalt  }
0x6a: {  	_ =	shalt  }
0x6b: {  	_ =	shalt  }
0x6c: {  	_ =	shalt  }
0x6d: {  	_ =	shalt  }
0x6e: {  	_ =	shalt  }
0x6f: {  	_ =	shalt  }
0x70: {  	_ =	shalt  }
0x71: {  	_ =	shalt  }
0x72: {  	_ =	shalt  }
0x73: {  	_ =	shalt  }
0x74: {  	_ =	shalt  }
0x75: {  	_ =	shalt  }
0x76: {  	_ =	shalt  }
0x77: {  	_ =	shalt  }
0x78: {  	_ =	shalt  }
0x79: {  	_ =	shalt  }
0x7a: {  	_ =	shalt  }
0x7b: {  	_ =	shalt  }
0x7c: {  	_ =	shalt  }
0x7d: {  	_ =	shalt  }
0x7e: {  	_ =	shalt  }
0x7f: {  	_ =	shalt  }
0x80: {  	_ =	shalt  }
0x81: {  	_ =	shalt  }
0x82: {  	_ =	shalt  }
0x83: {  	_ =	shalt  }
0x84: {  	_ =	shalt  }
0x85: {  	_ =	shalt  }
0x86: {  	_ =	shalt  }
0x87: {  	_ =	shalt  }
.Lfunc_end0:
.L_simem_size_0:
called_computation_lowered:
.L_overlay_start_0:
0x88: {  	s2 =	sld [smem:$0x3FD9]  }
0x89: {  	s3 =	sld [smem:$0x3FFE];
	_ =	sdelay $0x1  }
0x8a: {  	s1 =	srdreg.scid  }
0x8b: {  	s0 =	sand.u32 $0x1, s1  }
0x8c: {  	s18 =	sshll.u32 s0, $0xA;
	s2 =	sadd.s32 s3, s2  }
0x8d: {  	s2 =	sadd.s32 s2, s18  }
0x8e: {  	[smem:$0x3FC6] =	sst s2  }
0x8f: {  	_ = 	snop  }
0x90: {  	s2 =	sld [smem:$0x3FC9]  }
0x91: {  	s19 =	sld [smem:$0x3FC8]  }
0x92: {  	s4 =	sld [smem:$0x3FD0];
	(tm) =	ssettm $0x1  }
0x93: {  	s5 =	sld [smem:$0x3FFB];
	_ =	sdelay $0x3  }
0x94: {  	_ =	strace s5  }
0x95: {  	s5 =	sld [smem:$0x3FFC];
	_ =	sdelay $0x3  }
0x96: {  	_ =	strace s5  }
0x97: {  	s5 =	sld [smem:$0x3FFD];
	_ =	sdelay $0x3  }
0x98: {  	_ =	strace s5  }
0x99: {  	_ =	strace $0x8FFFFFFF  }
0x9a: {  	s20 =	sld [smem:$0x3FDB];
	_ =	sdelay $0x1  }
0x9b: {  	s6 =	simm.s32 $_scs_section_size  }
0x9c: {  	s7 =	simm.s32 $_size__tile_overlayer_lowered;
	s8 =	simm.s32 $_tile_overlayer_lowered  }
0x9d: {  	s23 =	simm.s32 $0x1BFF;
	s22 =	sshll.u32 s8, $0x1;
	s5 =	sadd.s32 s6, s20  }
0x9e: {  	s9 =	simm.s32 $0x0;
	s21 =	sshll.u32 s7, $0x1;
	s7 =	sadd.s32 s22, s5  }
0x9f: {  	[timem:s9], [sflag:s23] =	dma.local [hbm:s7], s21  }
0xa0: {  	_ =	swait.ge [sflag:s23], s21  }
0xa1: {  	s6 =	ssub.s32 $0x0, s21;
	[sflag:s23] =	ssyncset.done $0x0  }
0xa2: {  	[sflag:s23] =	ssyncadd.s32 s6;
	_ =	sdelay $0x1  }
0xa3: {  	s24 =	simm.s32 $0x1B8B  }
0xa4: {  	_ =	swait.ge [sflag:s24], $0x1  }
0xa5: {  	[sflag:s24] =	ssyncset.done $0x0  }
0xa6: {  	s25 =	simm.s32 $0x1B8E;
	[sflag:s24] =	ssyncadd.s32 $0xFFFFFFFF  }
0xa7: {  	s26 =	simm.s32 $execute0_lowered;
	[smem:$0x3FD2] =	sst s25  }
0xa8: {  	s6 =	sshll.u32 s26, $0x1;
	_ =	strace $0x80000046;
	[dreg:$0x1] =	wrdreg $0xFFFFFFFF  }
0xa9: {  	s28 =	simm.s32 $_size_execute0_lowered;
	s5 =	sadd.s32 s5, s6;
	[dreg:$0x0] =	wrdreg $0x0  }
0xaa: {  	s6 =	sshll.u32 s28, $0x1;
	[dreg:$0x2] =	wrdreg s5  }
0xab: {  	[dreg:$0x3] =	wrdreg s6  }
0xac: {  	[dreg:$0x4] =	wrdreg $0xC0  }
0xad: {  	_ =	task [dreg:s9], $0x5FFFF  }
0xae: {  	[dreg:$0x1] =	wrdreg $0xFFFFFFFF  }
0xaf: {  	[dreg:$0x0] =	wrdreg $0x60  }
0xb0: {  	[dreg:$0x2] =	wrdreg s2  }
0xb1: {  	[dreg:$0x3] =	wrdreg s19  }
0xb2: {  	[dreg:$0x4] =	wrdreg s4  }
0xb3: {  	[dreg:$0x5] =	wrdreg $0x1E7000  }
0xb4: {  	[dreg:$0x6] =	wrdreg $0x9  }
0xb5: {  	_ =	task.clear_ibuf [dreg:s9], $0x7FFFF;
	_ =	strace $0x90000046  }
0xb6: {  	s29 =	simm.s32 $0x9;
	_ =	strace $0x80000048  }
0xb7: {  	_ =	swait.ge [sflag:s29], $0x1  }
0xb8: {  	[sflag:s29] =	ssyncadd.s32 $0xFFFFFFFF  }
0xb9: {  	_ =	strace $0x90000048  }
0xba: {  	_ =	sfence  }
0xbb: {  	s30 =	sld [smem:$0x0];
	_ =	sdelay $0x2  }
0xbc: {  	s31 =	sshll.u32 s1, $0xD;
	s1 =	sshrl.u32 s1, $0x2  }
0xbd: {  	s3 =	sand.u32 $0x4000, s31;
	s1 =	sadd.s32 s1, s30  }
0xbe: {  	s0 =	sor.u32 s3, s0;
	s1 =	sshll.u32 s1, $0x11  }
0xbf: {  	s0 =	sor.u32 s1, s0  }
0xc0: {  	s0 =	sadd.s32 $0x8F2B, s0  }
0xc1: {  	[sflag:s0] =	ssyncadd.remote.s32 $0x1  }
0xc2: {  	_ =	sfence.sel $0xFFFF  }
0xc3: {  	[dreg:$0x0] =	wrdreg $0xFFFFFFFF;
	(pc) =	sbr.abs _section_cstart, $3  }
0xc4: {  	[dreg:$0x1] =	wrdreg $0xFFFFFFFF  }
0xc5: {  	_ =	task.clear_ibuf [dreg:s9], $0x2FFFF;
	_ =	strace $0x9FFFFFFF  }
0xc6: {  	(tm) =	ssettm $0x7FFFFFFF  }
0xc7: {  	_ =	shalt  }
tec
execute0_lowered:
.L_overlay_start_1:
0x0: {  	(tag) =	ssettag $0x1  }
0x1: {  	s1 =	rddreg [dreg:$0x0]  }
0x2: {  	s9 =	rddreg [dreg:$0x1]  }
0x3: {  	s10 =	rddreg [dreg:$0x2]  }
0x4: {  	s2 =	rddreg [dreg:$0x3]  }
0x5: {  	s0 =	rddreg [dreg:$0x4];
	s3 =	simm.s32 $0x0;
	s4 =	srdreg.scid  }
0x6: {  	s15 =	stileid.u32;
	s20 =	simm.s32 $0x2;
	s21 =	simm.s32 $0x0  }
0x7: {  	[smem:$0x7FF] =	sst s3;
	s4 =	sand.u32 $0x1, s4;
	s5 =	sshll.u32 s15, $0x9  }
0x8: {  	s6 =	sshrl.u32 s15, $0x1;
	s13 =	sadd.s32 $0x1000, s10;
	s16 =	sadd.s32 $0x2000, s10  }
0x9: {  	s31 =	sadd.s32 $0x3000, s10;
	p0 =	sne.s32 s15, $0x0;
	s15 =	simm.s32 $0x80  }
0xa: {  	s7 =	sshll.u32 s4, $0x8;
	s5 =	sand.u32 $0x200, s5;
	s8 =	smul.u32 $0xC3800, s6  }
0xb: {  	_ =	strace $0x80000047;
	s4 =	ssub.s32 $0x2, s4;
	s7 =	sor.u32 s7, s5  }
0xc: {  	s11 =	sshll.u32 s6, $0x11;
	s28 =	sshrl.u32 s4, $0x1;
	s29 =	sor.u32 s8, s7  }
0xd: {  	s12 =	sor.u32 s11, s7;
	s14 =	ssub.s32 s4, s28;
	s17 =	sor.u32 $0x80, s7  }
0xe: {  	s30 =	sshrl.u32 s29, $0x3;
	s12 =	sshrl.u32 s12, $0x3;
	s8 =	sor.u32 s8, s17  }
0xf: {  	s11 =	sor.u32 s11, s17;
	s14 =	smax.u32 s14, $0x1;
	s17 =	simm.s32 $0x18700  }
0x10: {  	s4 =	sadd.s32 s9, s30;
	s5 =	sadd.s32 s10, s12;
	s6 =	sadd.s32 s12, s13  }
0x11: {  	s7 =	sadd.s32 s12, s16;
	s18 =	sshrl.u32 s8, $0x3;
	s19 =	sshrl.u32 s11, $0x3  }
0x12: {  	s8 =	sadd.s32 s12, s31;
	s9 =	sadd.s32 s9, s18;
	s10 =	sadd.s32 s10, s19  }
0x13: {  	s11 =	sadd.s32 s19, s13;
	s12 =	sadd.s32 s19, s16;
	s13 =	sadd.s32 s19, s31  }
0x14: {  	s16 =	simm.s32 $0x400;
	s18 =	simm.s32 $0x3;
	s19 =	simm.s32 $0x1  }
.LBB2_1:
0x15: {  	[tilespmem:s3], [sflag:$0x1] =	stream.strided.gather [hbm4b:s4+s15], $0x18700, s16, s15, $0x38;
	[tilespmem:$0x1EB00] =	vst v63  }
0x16: {  	s22 =	sshrl.u32 @!p0 s2, $0x3;
	s23 =	simm.s32 @!p0 $0x1C03  }
0x17: {  	[spmem:s22], [sflag:s23] =	dma.local @!p0 [hbm:s1], $0x800  }
0x18: {  	s22 =	simm.s32 @!p0 $0x3  }
0x19: {  	_ =	swait.ge @!p0 [sflag:s22], $0x800  }
0x1a: {  	[sflag:s22] =	ssyncset.done @!p0 $0x0  }
0x1b: {  	[sflag:s22] =	ssyncadd.s32 @!p0 $0xFFFFF800  }
0x1c: {  	[bflag:$0x0] =	sbarrier.arrive $0xFFFF  }
0x1d: {  	[tilespmem:s17], [sflag:$0x3] =	stream.linear.gather [spmem:s2], $0x4000, $0x38;
	[tilespmem:$0x1EB00] =	vst v63  }
0x1e: {  	_ =	swait.ge [sflag:s18], $0x4000  }
0x1f: {  	[sflag:s18] =	ssyncset.done $0x0  }
0x20: {  	[sflag:s18] =	ssyncadd.s32 $0xFFFFC000  }
0x21: {  	_ =	swait.ge [sflag:s19], $0x18700  }
0x22: {  	[sflag:s19] =	ssyncset.done $0x0  }
0x23: {  	s31 =	simm.s32 $0x18740;
	[sflag:s19] =	ssyncadd.s32 $0xFFFE7900  }
0x24: {  	v0 =	vld [tilespmem:s31+$0x30]  }
0x25: {  	v1 =	vld [tilespmem:s31+$0xFFFFFFD0]  }
0x26: {  	v2 =	vld [tilespmem:s31+$0xFFFFFFE0]  }
0x27: {  	v3 =	vld [tilespmem:s31+$0xFFFFFFF0]  }
0x28: {  	v4 =	vld [tilespmem:s31+$0x0]  }
0x29: {  	v6 =	vld [tilespmem:s31+$0x10]  }
0x2a: {  	v7 =	vld [tilespmem:s31+$0x20]  }
0x2b: {  	v8 =	vld [tilespmem:s31+$0xFFFFFFC0]  }
0x2c: {  	v9 =	vld.idx.msk [tilespmem:v0+s3+$0x0], $0xffff  }
0x2d: {  	v10 =	vld.idx.msk [tilespmem:v1+s3+$0x0], $0xffff  }
0x2e: {  	v5 =	vld.idx.msk [tilespmem:v2+s3+$0x0], $0xffff  }
0x2f: {  	v3 =	vld.idx.msk [tilespmem:v3+s3+$0x0], $0xffff  }
0x30: {  	v0 =	vld.idx.msk [tilespmem:v4+s3+$0x0], $0xffff  }
0x31: {  	s22 =	simm.s32 $0x1C740;
	v1 =	vld.idx.msk [tilespmem:v6+s3+$0x0], $0xffff  }
0x32: {  	v2 =	vld.idx.msk [tilespmem:v7+s3+$0x0], $0xffff;
	[tilespmem:s22+$0x30] =	vst v9  }
0x33: {  	s24 =	simm.s32 $0x187C0;
	s23 =	simm.s32 $0x0;
	v4 =	vld.idx.msk [tilespmem:v8+s3+$0x0], $0xffff;
	[tilespmem:s22+$0xFFFFFFD0] =	vst v10  }
.LBB2_2:
0x34: {  	v6 =	vld [tilespmem:s24+$0x30];
	s23 =	sadd.s32 $0x80, s23;
	[tilespmem:s22+$0xFFFFFFE0] =	vst v5  }
0x35: {  	v5 =	vld [tilespmem:s24+$0xFFFFFFD0];
	p1 =	slt.u32 s23, $0xF80;
	[tilespmem:s22+$0xFFFFFFF0] =	vst v3  }
0x36: {  	v3 =	vld [tilespmem:s24+$0xFFFFFFE0];
	[tilespmem:s22+$0x0] =	vst v0  }
0x37: {  	v0 =	vld [tilespmem:s24+$0xFFFFFFF0];
	[tilespmem:s22+$0x10] =	vst v1  }
0x38: {  	v1 =	vld [tilespmem:s24+$0x0];
	[tilespmem:s22+$0x20] =	vst v2  }
0x39: {  	v2 =	vld [tilespmem:s24+$0x10];
	[tilespmem:s22+$0xFFFFFFC0] =	vst v4  }
0x3a: {  	v4 =	vld [tilespmem:s24+$0x20]  }
0x3b: {  	v7 =	vld [tilespmem:s24+$0xFFFFFFC0]  }
0x3c: {  	v6 =	vld.idx.msk [tilespmem:v6+s3+$0x0], $0xffff  }
0x3d: {  	v8 =	vld.idx.msk [tilespmem:v5+s3+$0x0], $0xffff  }
0x3e: {  	v5 =	vld.idx.msk [tilespmem:v3+s3+$0x0], $0xffff  }
.Ltmp0:
0x3f: {  	v3 =	vld.idx.msk [tilespmem:v0+s3+$0x0], $0xffff;
	(pc) =	sbr.rel @p1 .LBB2_2-.Ltmp0, $4  }
0x40: {  	v0 =	vld.idx.msk [tilespmem:v1+s3+$0x0], $0xffff  }
0x41: {  	s22 =	sadd.s32 $0x100, s22;
	v1 =	vld.idx.msk [tilespmem:v2+s3+$0x0], $0xffff  }
0x42: {  	v2 =	vld.idx.msk [tilespmem:v4+s3+$0x0], $0xffff;
	[tilespmem:s22+$0x30] =	vst v6  }
0x43: {  	s24 =	sadd.s32 $0x80, s24;
	v4 =	vld.idx.msk [tilespmem:v7+s3+$0x0], $0xffff;
	[tilespmem:s22+$0xFFFFFFD0] =	vst v8  }
0x44: {  	[tilespmem:s22+$0xFFFFFFE0] =	vst v5  }
0x45: {  	[tilespmem:s22+$0xFFFFFFF0] =	vst v3  }
0x46: {  	[tilespmem:s22+$0x0] =	vst v0  }
0x47: {  	[tilespmem:s22+$0x10] =	vst v1  }
0x48: {  	[tilespmem:s22+$0x20] =	vst v2  }
0x49: {  	s23 =	simm.s32 $0x1C700;
	[tilespmem:s22+$0xFFFFFFC0] =	vst v4;
	s22 =	simm.s32 $0x0  }
.LBB2_4:
0x4a: {  	p1 =	sne.s32 s22, $0xF80  }
.Ltmp1:
0x4b: {  	_ = 	snop;
	(pc) =	sbr.rel @p1 .LBB2_4-.Ltmp1, $4  }
0x4c: {  	_ = 	snop  }
0x4d: {  	s24 =	sadd.s32 s22, s5  }
0x4e: {  	[hbm4b:s24+s3] =	stream.linear.scatter [tilespmem:s23], [sflag:$0x2], $0x80, $0x38;
	[tilespmem:$0x1EB00] =	vst v63  }
0x4f: {  	s22 =	sadd.s32 $0x80, s22;
	s23 =	sadd.s32 $0x100, s23  }
0x50: {  	s22 =	simm.s32 $0x19770  }
0x51: {  	v0 =	vld [tilespmem:s22+$0x0]  }
0x52: {  	v1 =	vld [tilespmem:s22+$0xFFFFFFA0]  }
0x53: {  	v2 =	vld [tilespmem:s22+$0xFFFFFFB0]  }
0x54: {  	v3 =	vld [tilespmem:s22+$0xFFFFFFC0]  }
0x55: {  	v4 =	vld [tilespmem:s22+$0xFFFFFFD0]  }
0x56: {  	v6 =	vld [tilespmem:s22+$0xFFFFFFE0]  }
0x57: {  	v7 =	vld [tilespmem:s22+$0xFFFFFFF0]  }
0x58: {  	v8 =	vld [tilespmem:s22+$0xFFFFFF90]  }
0x59: {  	v9 =	vld.idx.msk [tilespmem:v0+s3+$0x0], $0xffff  }
0x5a: {  	v10 =	vld.idx.msk [tilespmem:v1+s3+$0x0], $0xffff  }
0x5b: {  	v5 =	vld.idx.msk [tilespmem:v2+s3+$0x0], $0xffff  }
0x5c: {  	v3 =	vld.idx.msk [tilespmem:v3+s3+$0x0], $0xffff  }
0x5d: {  	v0 =	vld.idx.msk [tilespmem:v4+s3+$0x0], $0xffff  }
0x5e: {  	s22 =	simm.s32 $0x1C7F0;
	v1 =	vld.idx.msk [tilespmem:v6+s3+$0x0], $0xffff  }
0x5f: {  	v2 =	vld.idx.msk [tilespmem:v7+s3+$0x0], $0xffff;
	[tilespmem:s22+$0x0] =	vst v9  }
0x60: {  	s23 =	simm.s32 $0x0;
	s24 =	simm.s32 $0x197F0;
	v4 =	vld.idx.msk [tilespmem:v8+s3+$0x0], $0xffff;
	[tilespmem:s22+$0xFFFFFFA0] =	vst v10  }
.LBB2_6:
0x61: {  	v6 =	vld [tilespmem:s24+$0x0];
	s23 =	sadd.s32 $0x80, s23;
	[tilespmem:s22+$0xFFFFFFB0] =	vst v5  }
0x62: {  	v5 =	vld [tilespmem:s24+$0xFFFFFFA0];
	p1 =	slt.u32 s23, $0xF80;
	[tilespmem:s22+$0xFFFFFFC0] =	vst v3  }
0x63: {  	v3 =	vld [tilespmem:s24+$0xFFFFFFB0];
	[tilespmem:s22+$0xFFFFFFD0] =	vst v0  }
0x64: {  	v0 =	vld [tilespmem:s24+$0xFFFFFFC0];
	[tilespmem:s22+$0xFFFFFFE0] =	vst v1  }
0x65: {  	v1 =	vld [tilespmem:s24+$0xFFFFFFD0];
	[tilespmem:s22+$0xFFFFFFF0] =	vst v2  }
0x66: {  	v2 =	vld [tilespmem:s24+$0xFFFFFFE0];
	[tilespmem:s22+$0xFFFFFF90] =	vst v4  }
0x67: {  	v4 =	vld [tilespmem:s24+$0xFFFFFFF0]  }
0x68: {  	v7 =	vld [tilespmem:s24+$0xFFFFFF90]  }
0x69: {  	v6 =	vld.idx.msk [tilespmem:v6+s3+$0x0], $0xffff  }
0x6a: {  	v8 =	vld.idx.msk [tilespmem:v5+s3+$0x0], $0xffff  }
0x6b: {  	v5 =	vld.idx.msk [tilespmem:v3+s3+$0x0], $0xffff  }
.Ltmp2:
0x6c: {  	v3 =	vld.idx.msk [tilespmem:v0+s3+$0x0], $0xffff;
	(pc) =	sbr.rel @p1 .LBB2_6-.Ltmp2, $4  }
0x6d: {  	v0 =	vld.idx.msk [tilespmem:v1+s3+$0x0], $0xffff  }
0x6e: {  	s22 =	sadd.s32 $0x100, s22;
	v1 =	vld.idx.msk [tilespmem:v2+s3+$0x0], $0xffff  }
0x6f: {  	v2 =	vld.idx.msk [tilespmem:v4+s3+$0x0], $0xffff;
	[tilespmem:s22+$0x0] =	vst v6  }
0x70: {  	s24 =	sadd.s32 $0x80, s24;
	v4 =	vld.idx.msk [tilespmem:v7+s3+$0x0], $0xffff;
	[tilespmem:s22+$0xFFFFFFA0] =	vst v8  }
0x71: {  	[tilespmem:s22+$0xFFFFFFB0] =	vst v5  }
0x72: {  	[tilespmem:s22+$0xFFFFFFC0] =	vst v3  }
0x73: {  	[tilespmem:s22+$0xFFFFFFD0] =	vst v0  }
0x74: {  	[tilespmem:s22+$0xFFFFFFE0] =	vst v1  }
0x75: {  	s23 =	simm.s32 $0x1C780;
	[tilespmem:s22+$0xFFFFFFF0] =	vst v2  }
0x76: {  	s25 =	sadd.s32 $0x0, s6;
	s24 =	simm.s32 $0x1C880;
	[tilespmem:s22+$0xFFFFFF90] =	vst v4;
	s22 =	simm.s32 $0x80  }
.LBB2_8:
0x77: {  	[hbm4b:s25+s3] =	stream.linear.scatter [tilespmem:s23], [sflag:$0x2], $0x80, $0x38;
	[tilespmem:$0x1EB00] =	vst v63  }
0x78: {  	s25 =	smov.u32 s22;
	s23 =	smov.u32 s24;
	p1 =	sne.s32 s22, $0xF80  }
.Ltmp3:
0x79: {  	s22 =	sadd.s32 $0x80, s22;
	(pc) =	sbr.rel @p1 .LBB2_8-.Ltmp3, $2  }
0x7a: {  	_ =	sdelay $0x2  }
0x7b: {  	s24 =	sadd.s32 $0x100, s24;
	s25 =	sadd.s32 s25, s6  }
0x7c: {  	[hbm4b:s25+s3] =	stream.linear.scatter [tilespmem:s23], [sflag:$0x2], $0x80, $0x38;
	[tilespmem:$0x1EB00] =	vst v63  }
0x7d: {  	_ =	swait.ge [sflag:s20], $0x1000  }
0x7e: {  	[sflag:s20] =	ssyncset.done $0x0  }
0x7f: {  	s22 =	simm.s32 $0x1A770;
	[sflag:s20] =	ssyncadd.s32 $0xFFFFF000  }
0x80: {  	v0 =	vld [tilespmem:s22+$0x0]  }
0x81: {  	v1 =	vld [tilespmem:s22+$0xFFFFFFA0]  }
0x82: {  	v2 =	vld [tilespmem:s22+$0xFFFFFFB0]  }
0x83: {  	v3 =	vld [tilespmem:s22+$0xFFFFFFC0]  }
0x84: {  	v4 =	vld [tilespmem:s22+$0xFFFFFFD0]  }
0x85: {  	v6 =	vld [tilespmem:s22+$0xFFFFFFE0]  }
0x86: {  	v7 =	vld [tilespmem:s22+$0xFFFFFFF0]  }
0x87: {  	v8 =	vld [tilespmem:s22+$0xFFFFFF90]  }
0x88: {  	v9 =	vld.idx.msk [tilespmem:v0+s3+$0x0], $0xffff  }
0x89: {  	v10 =	vld.idx.msk [tilespmem:v1+s3+$0x0], $0xffff  }
0x8a: {  	v5 =	vld.idx.msk [tilespmem:v2+s3+$0x0], $0xffff  }
0x8b: {  	v3 =	vld.idx.msk [tilespmem:v3+s3+$0x0], $0xffff  }
0x8c: {  	v0 =	vld.idx.msk [tilespmem:v4+s3+$0x0], $0xffff  }
0x8d: {  	s22 =	simm.s32 $0x1C740;
	v1 =	vld.idx.msk [tilespmem:v6+s3+$0x0], $0xffff  }
0x8e: {  	v2 =	vld.idx.msk [tilespmem:v7+s3+$0x0], $0xffff;
	[tilespmem:s22+$0x30] =	vst v9  }
0x8f: {  	s23 =	simm.s32 $0x0;
	s24 =	simm.s32 $0x1A7F0;
	v4 =	vld.idx.msk [tilespmem:v8+s3+$0x0], $0xffff;
	[tilespmem:s22+$0xFFFFFFD0] =	vst v10  }
.LBB2_10:
0x90: {  	v6 =	vld [tilespmem:s24+$0x0];
	s23 =	sadd.s32 $0x80, s23;
	[tilespmem:s22+$0xFFFFFFE0] =	vst v5  }
0x91: {  	v5 =	vld [tilespmem:s24+$0xFFFFFFA0];
	p1 =	slt.u32 s23, $0xF80;
	[tilespmem:s22+$0xFFFFFFF0] =	vst v3  }
0x92: {  	v3 =	vld [tilespmem:s24+$0xFFFFFFB0];
	[tilespmem:s22+$0x0] =	vst v0  }
0x93: {  	v0 =	vld [tilespmem:s24+$0xFFFFFFC0];
	[tilespmem:s22+$0x10] =	vst v1  }
0x94: {  	v1 =	vld [tilespmem:s24+$0xFFFFFFD0];
	[tilespmem:s22+$0x20] =	vst v2  }
0x95: {  	v2 =	vld [tilespmem:s24+$0xFFFFFFE0];
	[tilespmem:s22+$0xFFFFFFC0] =	vst v4  }
0x96: {  	v4 =	vld [tilespmem:s24+$0xFFFFFFF0]  }
0x97: {  	v7 =	vld [tilespmem:s24+$0xFFFFFF90]  }
0x98: {  	v6 =	vld.idx.msk [tilespmem:v6+s3+$0x0], $0xffff  }
0x99: {  	v8 =	vld.idx.msk [tilespmem:v5+s3+$0x0], $0xffff  }
0x9a: {  	v5 =	vld.idx.msk [tilespmem:v3+s3+$0x0], $0xffff  }
.Ltmp4:
0x9b: {  	v3 =	vld.idx.msk [tilespmem:v0+s3+$0x0], $0xffff;
	(pc) =	sbr.rel @p1 .LBB2_10-.Ltmp4, $4  }
0x9c: {  	v0 =	vld.idx.msk [tilespmem:v1+s3+$0x0], $0xffff  }
0x9d: {  	s22 =	sadd.s32 $0x100, s22;
	v1 =	vld.idx.msk [tilespmem:v2+s3+$0x0], $0xffff  }
0x9e: {  	v2 =	vld.idx.msk [tilespmem:v4+s3+$0x0], $0xffff;
	[tilespmem:s22+$0x30] =	vst v6  }
0x9f: {  	s24 =	sadd.s32 $0x80, s24;
	v4 =	vld.idx.msk [tilespmem:v7+s3+$0x0], $0xffff;
	[tilespmem:s22+$0xFFFFFFD0] =	vst v8  }
0xa0: {  	[tilespmem:s22+$0xFFFFFFE0] =	vst v5  }
0xa1: {  	[tilespmem:s22+$0xFFFFFFF0] =	vst v3  }
0xa2: {  	[tilespmem:s22+$0x0] =	vst v0  }
0xa3: {  	[tilespmem:s22+$0x10] =	vst v1  }
0xa4: {  	s23 =	simm.s32 $0x1C700;
	[tilespmem:s22+$0x20] =	vst v2  }
0xa5: {  	s25 =	sadd.s32 $0x0, s7;
	s24 =	simm.s32 $0x1C800;
	[tilespmem:s22+$0xFFFFFFC0] =	vst v4;
	s22 =	simm.s32 $0x80  }
.LBB2_12:
0xa6: {  	[hbm4b:s25+s3] =	stream.linear.scatter [tilespmem:s23], [sflag:$0x2], $0x80, $0x38;
	[tilespmem:$0x1EB00] =	vst v63  }
0xa7: {  	s25 =	smov.u32 s22;
	s23 =	smov.u32 s24;
	p1 =	sne.s32 s22, $0xF80  }
.Ltmp5:
0xa8: {  	s22 =	sadd.s32 $0x80, s22;
	(pc) =	sbr.rel @p1 .LBB2_12-.Ltmp5, $2  }
0xa9: {  	_ =	sdelay $0x2  }
0xaa: {  	s24 =	sadd.s32 $0x100, s24;
	s25 =	sadd.s32 s25, s7  }
0xab: {  	[hbm4b:s25+s3] =	stream.linear.scatter [tilespmem:s23], [sflag:$0x2], $0x80, $0x38;
	[tilespmem:$0x1EB00] =	vst v63  }
0xac: {  	_ =	swait.ge [sflag:s20], $0x1000  }
0xad: {  	[sflag:s20] =	ssyncset.done $0x0  }
0xae: {  	s22 =	simm.s32 $0x1B770;
	[sflag:s20] =	ssyncadd.s32 $0xFFFFF000  }
0xaf: {  	v0 =	vld [tilespmem:s22+$0x0]  }
0xb0: {  	v1 =	vld [tilespmem:s22+$0xFFFFFFA0]  }
0xb1: {  	v2 =	vld [tilespmem:s22+$0xFFFFFFB0]  }
0xb2: {  	v3 =	vld [tilespmem:s22+$0xFFFFFFC0]  }
0xb3: {  	v4 =	vld [tilespmem:s22+$0xFFFFFFD0]  }
0xb4: {  	v6 =	vld [tilespmem:s22+$0xFFFFFFE0]  }
0xb5: {  	v7 =	vld [tilespmem:s22+$0xFFFFFFF0]  }
0xb6: {  	v8 =	vld [tilespmem:s22+$0xFFFFFF90]  }
0xb7: {  	v9 =	vld.idx.msk [tilespmem:v0+s3+$0x0], $0xffff  }
0xb8: {  	v10 =	vld.idx.msk [tilespmem:v1+s3+$0x0], $0xffff  }
0xb9: {  	v5 =	vld.idx.msk [tilespmem:v2+s3+$0x0], $0xffff  }
0xba: {  	v3 =	vld.idx.msk [tilespmem:v3+s3+$0x0], $0xffff  }
0xbb: {  	v0 =	vld.idx.msk [tilespmem:v4+s3+$0x0], $0xffff  }
0xbc: {  	s22 =	simm.s32 $0x1C7F0;
	v1 =	vld.idx.msk [tilespmem:v6+s3+$0x0], $0xffff  }
0xbd: {  	v2 =	vld.idx.msk [tilespmem:v7+s3+$0x0], $0xffff;
	[tilespmem:s22+$0x0] =	vst v9  }
0xbe: {  	s23 =	simm.s32 $0x0;
	s24 =	simm.s32 $0x1B7F0;
	v4 =	vld.idx.msk [tilespmem:v8+s3+$0x0], $0xffff;
	[tilespmem:s22+$0xFFFFFFA0] =	vst v10  }
.LBB2_14:
0xbf: {  	v6 =	vld [tilespmem:s24+$0x0];
	s23 =	sadd.s32 $0x80, s23;
	[tilespmem:s22+$0xFFFFFFB0] =	vst v5  }
0xc0: {  	v5 =	vld [tilespmem:s24+$0xFFFFFFA0];
	p1 =	slt.u32 s23, $0xF80;
	[tilespmem:s22+$0xFFFFFFC0] =	vst v3  }
0xc1: {  	v3 =	vld [tilespmem:s24+$0xFFFFFFB0];
	[tilespmem:s22+$0xFFFFFFD0] =	vst v0  }
0xc2: {  	v0 =	vld [tilespmem:s24+$0xFFFFFFC0];
	[tilespmem:s22+$0xFFFFFFE0] =	vst v1  }
0xc3: {  	v1 =	vld [tilespmem:s24+$0xFFFFFFD0];
	[tilespmem:s22+$0xFFFFFFF0] =	vst v2  }
0xc4: {  	v2 =	vld [tilespmem:s24+$0xFFFFFFE0];
	[tilespmem:s22+$0xFFFFFF90] =	vst v4  }
0xc5: {  	v4 =	vld [tilespmem:s24+$0xFFFFFFF0]  }
0xc6: {  	v7 =	vld [tilespmem:s24+$0xFFFFFF90]  }
0xc7: {  	v6 =	vld.idx.msk [tilespmem:v6+s3+$0x0], $0xffff  }
0xc8: {  	v8 =	vld.idx.msk [tilespmem:v5+s3+$0x0], $0xffff  }
0xc9: {  	v5 =	vld.idx.msk [tilespmem:v3+s3+$0x0], $0xffff  }
.Ltmp6:
0xca: {  	v3 =	vld.idx.msk [tilespmem:v0+s3+$0x0], $0xffff;
	(pc) =	sbr.rel @p1 .LBB2_14-.Ltmp6, $4  }
0xcb: {  	v0 =	vld.idx.msk [tilespmem:v1+s3+$0x0], $0xffff  }
0xcc: {  	s22 =	sadd.s32 $0x100, s22;
	v1 =	vld.idx.msk [tilespmem:v2+s3+$0x0], $0xffff  }
0xcd: {  	v2 =	vld.idx.msk [tilespmem:v4+s3+$0x0], $0xffff;
	[tilespmem:s22+$0x0] =	vst v6  }
0xce: {  	s24 =	sadd.s32 $0x80, s24;
	v4 =	vld.idx.msk [tilespmem:v7+s3+$0x0], $0xffff;
	[tilespmem:s22+$0xFFFFFFA0] =	vst v8  }
0xcf: {  	[tilespmem:s22+$0xFFFFFFB0] =	vst v5  }
0xd0: {  	[tilespmem:s22+$0xFFFFFFC0] =	vst v3  }
0xd1: {  	[tilespmem:s22+$0xFFFFFFD0] =	vst v0  }
0xd2: {  	[tilespmem:s22+$0xFFFFFFE0] =	vst v1  }
0xd3: {  	s23 =	simm.s32 $0x1C780;
	[tilespmem:s22+$0xFFFFFFF0] =	vst v2  }
0xd4: {  	s25 =	sadd.s32 $0x0, s8;
	s24 =	simm.s32 $0x1C880;
	[tilespmem:s22+$0xFFFFFF90] =	vst v4;
	s22 =	simm.s32 $0x80  }
.LBB2_16:
0xd5: {  	[hbm4b:s25+s3] =	stream.linear.scatter [tilespmem:s23], [sflag:$0x2], $0x80, $0x38;
	[tilespmem:$0x1EB00] =	vst v63  }
0xd6: {  	s25 =	smov.u32 s22;
	s23 =	smov.u32 s24;
	p1 =	sne.s32 s22, $0xF80  }
.Ltmp7:
0xd7: {  	s22 =	sadd.s32 $0x80, s22;
	(pc) =	sbr.rel @p1 .LBB2_16-.Ltmp7, $2  }
0xd8: {  	_ =	sdelay $0x2  }
0xd9: {  	s24 =	sadd.s32 $0x100, s24;
	s25 =	sadd.s32 s25, s8  }
0xda: {  	[hbm4b:s25+s3] =	stream.linear.scatter [tilespmem:s23], [sflag:$0x2], $0x80, $0x38;
	[tilespmem:$0x1EB00] =	vst v63  }
0xdb: {  	_ = 	snop  }
0xdc: {  	[tilespmem:s3], [sflag:$0x1] =	stream.strided.gather [hbm4b:s9+s15], $0x18700, s16, s15, $0x38;
	[tilespmem:$0x1EB00] =	vst v63  }
0xdd: {  	_ =	swait.ge [sflag:s19], $0x18700  }
0xde: {  	[sflag:s19] =	ssyncset.done $0x0  }
0xdf: {  	[sflag:s19] =	ssyncadd.s32 $0xFFFE7900  }
0xe0: {  	_ =	swait.ge [sflag:s20], $0x1000  }
0xe1: {  	[sflag:s20] =	ssyncset.done $0x0  }
0xe2: {  	s22 =	simm.s32 $0x18740;
	[sflag:s20] =	ssyncadd.s32 $0xFFFFF000  }
0xe3: {  	v0 =	vld [tilespmem:s22+$0x30]  }
0xe4: {  	v1 =	vld [tilespmem:s22+$0xFFFFFFD0]  }
0xe5: {  	v2 =	vld [tilespmem:s22+$0xFFFFFFE0]  }
0xe6: {  	v3 =	vld [tilespmem:s22+$0xFFFFFFF0]  }
0xe7: {  	v4 =	vld [tilespmem:s22+$0x0]  }
0xe8: {  	v6 =	vld [tilespmem:s22+$0x10]  }
0xe9: {  	v7 =	vld [tilespmem:s22+$0x20]  }
0xea: {  	v8 =	vld [tilespmem:s22+$0xFFFFFFC0]  }
0xeb: {  	v9 =	vld.idx.msk [tilespmem:v0+s3+$0x0], $0xffff  }
0xec: {  	v10 =	vld.idx.msk [tilespmem:v1+s3+$0x0], $0xffff  }
0xed: {  	v5 =	vld.idx.msk [tilespmem:v2+s3+$0x0], $0xffff  }
0xee: {  	v3 =	vld.idx.msk [tilespmem:v3+s3+$0x0], $0xffff  }
0xef: {  	v0 =	vld.idx.msk [tilespmem:v4+s3+$0x0], $0xffff  }
0xf0: {  	s22 =	simm.s32 $0x1C740;
	v1 =	vld.idx.msk [tilespmem:v6+s3+$0x0], $0xffff  }
0xf1: {  	v2 =	vld.idx.msk [tilespmem:v7+s3+$0x0], $0xffff;
	[tilespmem:s22+$0x30] =	vst v9  }
0xf2: {  	s23 =	simm.s32 $0x0;
	s24 =	simm.s32 $0x187C0;
	v4 =	vld.idx.msk [tilespmem:v8+s3+$0x0], $0xffff;
	[tilespmem:s22+$0xFFFFFFD0] =	vst v10  }
.LBB2_18:
0xf3: {  	v6 =	vld [tilespmem:s24+$0x30];
	s23 =	sadd.s32 $0x80, s23;
	[tilespmem:s22+$0xFFFFFFE0] =	vst v5  }
0xf4: {  	v5 =	vld [tilespmem:s24+$0xFFFFFFD0];
	p1 =	slt.u32 s23, $0xF80;
	[tilespmem:s22+$0xFFFFFFF0] =	vst v3  }
0xf5: {  	v3 =	vld [tilespmem:s24+$0xFFFFFFE0];
	[tilespmem:s22+$0x0] =	vst v0  }
0xf6: {  	v0 =	vld [tilespmem:s24+$0xFFFFFFF0];
	[tilespmem:s22+$0x10] =	vst v1  }
0xf7: {  	v1 =	vld [tilespmem:s24+$0x0];
	[tilespmem:s22+$0x20] =	vst v2  }
0xf8: {  	v2 =	vld [tilespmem:s24+$0x10];
	[tilespmem:s22+$0xFFFFFFC0] =	vst v4  }
0xf9: {  	v4 =	vld [tilespmem:s24+$0x20]  }
0xfa: {  	v7 =	vld [tilespmem:s24+$0xFFFFFFC0]  }
0xfb: {  	v6 =	vld.idx.msk [tilespmem:v6+s3+$0x0], $0xffff  }
0xfc: {  	v8 =	vld.idx.msk [tilespmem:v5+s3+$0x0], $0xffff  }
0xfd: {  	v5 =	vld.idx.msk [tilespmem:v3+s3+$0x0], $0xffff  }
.Ltmp8:
0xfe: {  	v3 =	vld.idx.msk [tilespmem:v0+s3+$0x0], $0xffff;
	(pc) =	sbr.rel @p1 .LBB2_18-.Ltmp8, $4  }
0xff: {  	v0 =	vld.idx.msk [tilespmem:v1+s3+$0x0], $0xffff  }
0x100: {  	s22 =	sadd.s32 $0x100, s22;
	v1 =	vld.idx.msk [tilespmem:v2+s3+$0x0], $0xffff  }
0x101: {  	v2 =	vld.idx.msk [tilespmem:v4+s3+$0x0], $0xffff;
	[tilespmem:s22+$0x30] =	vst v6  }
0x102: {  	s24 =	sadd.s32 $0x80, s24;
	v4 =	vld.idx.msk [tilespmem:v7+s3+$0x0], $0xffff;
	[tilespmem:s22+$0xFFFFFFD0] =	vst v8  }
0x103: {  	[tilespmem:s22+$0xFFFFFFE0] =	vst v5  }
0x104: {  	[tilespmem:s22+$0xFFFFFFF0] =	vst v3  }
0x105: {  	[tilespmem:s22+$0x0] =	vst v0  }
0x106: {  	[tilespmem:s22+$0x10] =	vst v1  }
0x107: {  	s23 =	simm.s32 $0x1C700;
	[tilespmem:s22+$0x20] =	vst v2  }
0x108: {  	s25 =	sadd.s32 $0x0, s10;
	s24 =	simm.s32 $0x1C800;
	[tilespmem:s22+$0xFFFFFFC0] =	vst v4;
	s22 =	simm.s32 $0x80  }
.LBB2_20:
0x109: {  	[hbm4b:s25+s3] =	stream.linear.scatter [tilespmem:s23], [sflag:$0x2], $0x80, $0x38;
	[tilespmem:$0x1EB00] =	vst v63  }
0x10a: {  	s25 =	smov.u32 s22;
	s23 =	smov.u32 s24;
	p1 =	sne.s32 s22, $0xF80  }
.Ltmp9:
0x10b: {  	s22 =	sadd.s32 $0x80, s22;
	(pc) =	sbr.rel @p1 .LBB2_20-.Ltmp9, $2  }
0x10c: {  	_ =	sdelay $0x2  }
0x10d: {  	s24 =	sadd.s32 $0x100, s24;
	s25 =	sadd.s32 s25, s10  }
0x10e: {  	[hbm4b:s25+s3] =	stream.linear.scatter [tilespmem:s23], [sflag:$0x2], $0x80, $0x38;
	[tilespmem:$0x1EB00] =	vst v63  }
0x10f: {  	_ =	swait.ge [sflag:s20], $0x1000  }
0x110: {  	[sflag:s20] =	ssyncset.done $0x0  }
0x111: {  	s22 =	simm.s32 $0x19770;
	[sflag:s20] =	ssyncadd.s32 $0xFFFFF000  }
0x112: {  	v0 =	vld [tilespmem:s22+$0x0]  }
0x113: {  	v1 =	vld [tilespmem:s22+$0xFFFFFFA0]  }
0x114: {  	v2 =	vld [tilespmem:s22+$0xFFFFFFB0]  }
0x115: {  	v3 =	vld [tilespmem:s22+$0xFFFFFFC0]  }
0x116: {  	v4 =	vld [tilespmem:s22+$0xFFFFFFD0]  }
0x117: {  	v6 =	vld [tilespmem:s22+$0xFFFFFFE0]  }
0x118: {  	v7 =	vld [tilespmem:s22+$0xFFFFFFF0]  }
0x119: {  	v8 =	vld [tilespmem:s22+$0xFFFFFF90]  }
0x11a: {  	v9 =	vld.idx.msk [tilespmem:v0+s3+$0x0], $0xffff  }
0x11b: {  	v10 =	vld.idx.msk [tilespmem:v1+s3+$0x0], $0xffff  }
0x11c: {  	v5 =	vld.idx.msk [tilespmem:v2+s3+$0x0], $0xffff  }
0x11d: {  	v3 =	vld.idx.msk [tilespmem:v3+s3+$0x0], $0xffff  }
0x11e: {  	v0 =	vld.idx.msk [tilespmem:v4+s3+$0x0], $0xffff  }
0x11f: {  	s22 =	simm.s32 $0x1C7F0;
	v1 =	vld.idx.msk [tilespmem:v6+s3+$0x0], $0xffff  }
0x120: {  	v2 =	vld.idx.msk [tilespmem:v7+s3+$0x0], $0xffff;
	[tilespmem:s22+$0x0] =	vst v9  }
0x121: {  	s23 =	simm.s32 $0x0;
	s24 =	simm.s32 $0x197F0;
	v4 =	vld.idx.msk [tilespmem:v8+s3+$0x0], $0xffff;
	[tilespmem:s22+$0xFFFFFFA0] =	vst v10  }
.LBB2_22:
0x122: {  	v6 =	vld [tilespmem:s24+$0x0];
	s23 =	sadd.s32 $0x80, s23;
	[tilespmem:s22+$0xFFFFFFB0] =	vst v5  }
0x123: {  	v5 =	vld [tilespmem:s24+$0xFFFFFFA0];
	p1 =	slt.u32 s23, $0xF80;
	[tilespmem:s22+$0xFFFFFFC0] =	vst v3  }
0x124: {  	v3 =	vld [tilespmem:s24+$0xFFFFFFB0];
	[tilespmem:s22+$0xFFFFFFD0] =	vst v0  }
0x125: {  	v0 =	vld [tilespmem:s24+$0xFFFFFFC0];
	[tilespmem:s22+$0xFFFFFFE0] =	vst v1  }
0x126: {  	v1 =	vld [tilespmem:s24+$0xFFFFFFD0];
	[tilespmem:s22+$0xFFFFFFF0] =	vst v2  }
0x127: {  	v2 =	vld [tilespmem:s24+$0xFFFFFFE0];
	[tilespmem:s22+$0xFFFFFF90] =	vst v4  }
0x128: {  	v4 =	vld [tilespmem:s24+$0xFFFFFFF0]  }
0x129: {  	v7 =	vld [tilespmem:s24+$0xFFFFFF90]  }
0x12a: {  	v6 =	vld.idx.msk [tilespmem:v6+s3+$0x0], $0xffff  }
0x12b: {  	v8 =	vld.idx.msk [tilespmem:v5+s3+$0x0], $0xffff  }
0x12c: {  	v5 =	vld.idx.msk [tilespmem:v3+s3+$0x0], $0xffff  }
.Ltmp10:
0x12d: {  	v3 =	vld.idx.msk [tilespmem:v0+s3+$0x0], $0xffff;
	(pc) =	sbr.rel @p1 .LBB2_22-.Ltmp10, $4  }
0x12e: {  	v0 =	vld.idx.msk [tilespmem:v1+s3+$0x0], $0xffff  }
0x12f: {  	s22 =	sadd.s32 $0x100, s22;
	v1 =	vld.idx.msk [tilespmem:v2+s3+$0x0], $0xffff  }
0x130: {  	v2 =	vld.idx.msk [tilespmem:v4+s3+$0x0], $0xffff;
	[tilespmem:s22+$0x0] =	vst v6  }
0x131: {  	s24 =	sadd.s32 $0x80, s24;
	v4 =	vld.idx.msk [tilespmem:v7+s3+$0x0], $0xffff;
	[tilespmem:s22+$0xFFFFFFA0] =	vst v8  }
0x132: {  	[tilespmem:s22+$0xFFFFFFB0] =	vst v5  }
0x133: {  	[tilespmem:s22+$0xFFFFFFC0] =	vst v3  }
0x134: {  	[tilespmem:s22+$0xFFFFFFD0] =	vst v0  }
0x135: {  	[tilespmem:s22+$0xFFFFFFE0] =	vst v1  }
0x136: {  	s23 =	simm.s32 $0x1C780;
	[tilespmem:s22+$0xFFFFFFF0] =	vst v2  }
0x137: {  	s25 =	sadd.s32 $0x0, s11;
	s24 =	simm.s32 $0x1C880;
	[tilespmem:s22+$0xFFFFFF90] =	vst v4;
	s22 =	simm.s32 $0x80  }
.LBB2_24:
0x138: {  	[hbm4b:s25+s3] =	stream.linear.scatter [tilespmem:s23], [sflag:$0x2], $0x80, $0x38;
	[tilespmem:$0x1EB00] =	vst v63  }
0x139: {  	s25 =	smov.u32 s22;
	s23 =	smov.u32 s24;
	p1 =	sne.s32 s22, $0xF80  }
.Ltmp11:
0x13a: {  	s22 =	sadd.s32 $0x80, s22;
	(pc) =	sbr.rel @p1 .LBB2_24-.Ltmp11, $2  }
0x13b: {  	_ =	sdelay $0x2  }
0x13c: {  	s24 =	sadd.s32 $0x100, s24;
	s25 =	sadd.s32 s25, s11  }
0x13d: {  	[hbm4b:s25+s3] =	stream.linear.scatter [tilespmem:s23], [sflag:$0x2], $0x80, $0x38;
	[tilespmem:$0x1EB00] =	vst v63  }
0x13e: {  	_ =	swait.ge [sflag:s20], $0x1000  }
0x13f: {  	[sflag:s20] =	ssyncset.done $0x0  }
0x140: {  	s22 =	simm.s32 $0x1A770;
	[sflag:s20] =	ssyncadd.s32 $0xFFFFF000  }
0x141: {  	v0 =	vld [tilespmem:s22+$0x0]  }
0x142: {  	v1 =	vld [tilespmem:s22+$0xFFFFFFA0]  }
0x143: {  	v2 =	vld [tilespmem:s22+$0xFFFFFFB0]  }
0x144: {  	v3 =	vld [tilespmem:s22+$0xFFFFFFC0]  }
0x145: {  	v4 =	vld [tilespmem:s22+$0xFFFFFFD0]  }
0x146: {  	v6 =	vld [tilespmem:s22+$0xFFFFFFE0]  }
0x147: {  	v7 =	vld [tilespmem:s22+$0xFFFFFFF0]  }
0x148: {  	v8 =	vld [tilespmem:s22+$0xFFFFFF90]  }
0x149: {  	v9 =	vld.idx.msk [tilespmem:v0+s3+$0x0], $0xffff  }
0x14a: {  	v10 =	vld.idx.msk [tilespmem:v1+s3+$0x0], $0xffff  }
0x14b: {  	v5 =	vld.idx.msk [tilespmem:v2+s3+$0x0], $0xffff  }
0x14c: {  	v3 =	vld.idx.msk [tilespmem:v3+s3+$0x0], $0xffff  }
0x14d: {  	v0 =	vld.idx.msk [tilespmem:v4+s3+$0x0], $0xffff  }
0x14e: {  	s22 =	simm.s32 $0x1C740;
	v1 =	vld.idx.msk [tilespmem:v6+s3+$0x0], $0xffff  }
0x14f: {  	v2 =	vld.idx.msk [tilespmem:v7+s3+$0x0], $0xffff;
	[tilespmem:s22+$0x30] =	vst v9  }
0x150: {  	s23 =	simm.s32 $0x0;
	s24 =	simm.s32 $0x1A7F0;
	v4 =	vld.idx.msk [tilespmem:v8+s3+$0x0], $0xffff;
	[tilespmem:s22+$0xFFFFFFD0] =	vst v10  }
.LBB2_26:
0x151: {  	v6 =	vld [tilespmem:s24+$0x0];
	s23 =	sadd.s32 $0x80, s23;
	[tilespmem:s22+$0xFFFFFFE0] =	vst v5  }
0x152: {  	v5 =	vld [tilespmem:s24+$0xFFFFFFA0];
	p1 =	slt.u32 s23, $0xF80;
	[tilespmem:s22+$0xFFFFFFF0] =	vst v3  }
0x153: {  	v3 =	vld [tilespmem:s24+$0xFFFFFFB0];
	[tilespmem:s22+$0x0] =	vst v0  }
0x154: {  	v0 =	vld [tilespmem:s24+$0xFFFFFFC0];
	[tilespmem:s22+$0x10] =	vst v1  }
0x155: {  	v1 =	vld [tilespmem:s24+$0xFFFFFFD0];
	[tilespmem:s22+$0x20] =	vst v2  }
0x156: {  	v2 =	vld [tilespmem:s24+$0xFFFFFFE0];
	[tilespmem:s22+$0xFFFFFFC0] =	vst v4  }
0x157: {  	v4 =	vld [tilespmem:s24+$0xFFFFFFF0]  }
0x158: {  	v7 =	vld [tilespmem:s24+$0xFFFFFF90]  }
0x159: {  	v6 =	vld.idx.msk [tilespmem:v6+s3+$0x0], $0xffff  }
0x15a: {  	v8 =	vld.idx.msk [tilespmem:v5+s3+$0x0], $0xffff  }
0x15b: {  	v5 =	vld.idx.msk [tilespmem:v3+s3+$0x0], $0xffff  }
.Ltmp12:
0x15c: {  	v3 =	vld.idx.msk [tilespmem:v0+s3+$0x0], $0xffff;
	(pc) =	sbr.rel @p1 .LBB2_26-.Ltmp12, $4  }
0x15d: {  	v0 =	vld.idx.msk [tilespmem:v1+s3+$0x0], $0xffff  }
0x15e: {  	s22 =	sadd.s32 $0x100, s22;
	v1 =	vld.idx.msk [tilespmem:v2+s3+$0x0], $0xffff  }
0x15f: {  	v2 =	vld.idx.msk [tilespmem:v4+s3+$0x0], $0xffff;
	[tilespmem:s22+$0x30] =	vst v6  }
0x160: {  	s24 =	sadd.s32 $0x80, s24;
	v4 =	vld.idx.msk [tilespmem:v7+s3+$0x0], $0xffff;
	[tilespmem:s22+$0xFFFFFFD0] =	vst v8  }
0x161: {  	[tilespmem:s22+$0xFFFFFFE0] =	vst v5  }
0x162: {  	[tilespmem:s22+$0xFFFFFFF0] =	vst v3  }
0x163: {  	[tilespmem:s22+$0x0] =	vst v0  }
0x164: {  	[tilespmem:s22+$0x10] =	vst v1  }
0x165: {  	s23 =	simm.s32 $0x1C700;
	[tilespmem:s22+$0x20] =	vst v2  }
0x166: {  	s25 =	sadd.s32 $0x0, s12;
	s24 =	simm.s32 $0x1C800;
	[tilespmem:s22+$0xFFFFFFC0] =	vst v4;
	s22 =	simm.s32 $0x80  }
.LBB2_28:
0x167: {  	[hbm4b:s25+s3] =	stream.linear.scatter [tilespmem:s23], [sflag:$0x2], $0x80, $0x38;
	[tilespmem:$0x1EB00] =	vst v63  }
0x168: {  	s25 =	smov.u32 s22;
	s23 =	smov.u32 s24;
	p1 =	sne.s32 s22, $0xF80  }
.Ltmp13:
0x169: {  	s22 =	sadd.s32 $0x80, s22;
	(pc) =	sbr.rel @p1 .LBB2_28-.Ltmp13, $2  }
0x16a: {  	_ =	sdelay $0x2  }
0x16b: {  	s24 =	sadd.s32 $0x100, s24;
	s25 =	sadd.s32 s25, s12  }
0x16c: {  	[hbm4b:s25+s3] =	stream.linear.scatter [tilespmem:s23], [sflag:$0x2], $0x80, $0x38;
	[tilespmem:$0x1EB00] =	vst v63  }
0x16d: {  	_ =	swait.ge [sflag:s20], $0x1000  }
0x16e: {  	[sflag:s20] =	ssyncset.done $0x0  }
0x16f: {  	s22 =	simm.s32 $0x1B770;
	[sflag:s20] =	ssyncadd.s32 $0xFFFFF000  }
0x170: {  	v0 =	vld [tilespmem:s22+$0x0]  }
0x171: {  	v1 =	vld [tilespmem:s22+$0xFFFFFFA0]  }
0x172: {  	v2 =	vld [tilespmem:s22+$0xFFFFFFB0]  }
0x173: {  	v3 =	vld [tilespmem:s22+$0xFFFFFFC0]  }
0x174: {  	v4 =	vld [tilespmem:s22+$0xFFFFFFD0]  }
0x175: {  	v6 =	vld [tilespmem:s22+$0xFFFFFFE0]  }
0x176: {  	v7 =	vld [tilespmem:s22+$0xFFFFFFF0]  }
0x177: {  	v8 =	vld [tilespmem:s22+$0xFFFFFF90]  }
0x178: {  	v9 =	vld.idx.msk [tilespmem:v0+s3+$0x0], $0xffff  }
0x179: {  	v10 =	vld.idx.msk [tilespmem:v1+s3+$0x0], $0xffff  }
0x17a: {  	v5 =	vld.idx.msk [tilespmem:v2+s3+$0x0], $0xffff  }
0x17b: {  	v3 =	vld.idx.msk [tilespmem:v3+s3+$0x0], $0xffff  }
0x17c: {  	v0 =	vld.idx.msk [tilespmem:v4+s3+$0x0], $0xffff  }
0x17d: {  	s22 =	simm.s32 $0x1C7F0;
	v1 =	vld.idx.msk [tilespmem:v6+s3+$0x0], $0xffff  }
0x17e: {  	v2 =	vld.idx.msk [tilespmem:v7+s3+$0x0], $0xffff;
	[tilespmem:s22+$0x0] =	vst v9  }
0x17f: {  	s23 =	simm.s32 $0x0;
	s24 =	simm.s32 $0x1B7F0;
	v4 =	vld.idx.msk [tilespmem:v8+s3+$0x0], $0xffff;
	[tilespmem:s22+$0xFFFFFFA0] =	vst v10  }
.LBB2_30:
0x180: {  	v6 =	vld [tilespmem:s24+$0x0];
	s23 =	sadd.s32 $0x80, s23;
	[tilespmem:s22+$0xFFFFFFB0] =	vst v5  }
0x181: {  	v5 =	vld [tilespmem:s24+$0xFFFFFFA0];
	p1 =	slt.u32 s23, $0xF80;
	[tilespmem:s22+$0xFFFFFFC0] =	vst v3  }
0x182: {  	v3 =	vld [tilespmem:s24+$0xFFFFFFB0];
	[tilespmem:s22+$0xFFFFFFD0] =	vst v0  }
0x183: {  	v0 =	vld [tilespmem:s24+$0xFFFFFFC0];
	[tilespmem:s22+$0xFFFFFFE0] =	vst v1  }
0x184: {  	v1 =	vld [tilespmem:s24+$0xFFFFFFD0];
	[tilespmem:s22+$0xFFFFFFF0] =	vst v2  }
0x185: {  	v2 =	vld [tilespmem:s24+$0xFFFFFFE0];
	[tilespmem:s22+$0xFFFFFF90] =	vst v4  }
0x186: {  	v4 =	vld [tilespmem:s24+$0xFFFFFFF0]  }
0x187: {  	v7 =	vld [tilespmem:s24+$0xFFFFFF90]  }
0x188: {  	v6 =	vld.idx.msk [tilespmem:v6+s3+$0x0], $0xffff  }
0x189: {  	v8 =	vld.idx.msk [tilespmem:v5+s3+$0x0], $0xffff  }
0x18a: {  	v5 =	vld.idx.msk [tilespmem:v3+s3+$0x0], $0xffff  }
.Ltmp14:
0x18b: {  	v3 =	vld.idx.msk [tilespmem:v0+s3+$0x0], $0xffff;
	(pc) =	sbr.rel @p1 .LBB2_30-.Ltmp14, $4  }
0x18c: {  	v0 =	vld.idx.msk [tilespmem:v1+s3+$0x0], $0xffff  }
0x18d: {  	s22 =	sadd.s32 $0x100, s22;
	v1 =	vld.idx.msk [tilespmem:v2+s3+$0x0], $0xffff  }
0x18e: {  	v2 =	vld.idx.msk [tilespmem:v4+s3+$0x0], $0xffff;
	[tilespmem:s22+$0x0] =	vst v6  }
0x18f: {  	s24 =	sadd.s32 $0x80, s24;
	v4 =	vld.idx.msk [tilespmem:v7+s3+$0x0], $0xffff;
	[tilespmem:s22+$0xFFFFFFA0] =	vst v8  }
0x190: {  	[tilespmem:s22+$0xFFFFFFB0] =	vst v5  }
0x191: {  	[tilespmem:s22+$0xFFFFFFC0] =	vst v3  }
0x192: {  	[tilespmem:s22+$0xFFFFFFD0] =	vst v0  }
0x193: {  	[tilespmem:s22+$0xFFFFFFE0] =	vst v1  }
0x194: {  	s23 =	simm.s32 $0x1C780;
	[tilespmem:s22+$0xFFFFFFF0] =	vst v2  }
0x195: {  	s25 =	sadd.s32 $0x0, s13;
	s24 =	simm.s32 $0x1C880;
	[tilespmem:s22+$0xFFFFFF90] =	vst v4;
	s22 =	simm.s32 $0x80  }
.LBB2_32:
0x196: {  	[hbm4b:s25+s3] =	stream.linear.scatter [tilespmem:s23], [sflag:$0x2], $0x80, $0x38;
	[tilespmem:$0x1EB00] =	vst v63  }
0x197: {  	s25 =	smov.u32 s22;
	s23 =	smov.u32 s24;
	p1 =	sne.s32 s22, $0xF80  }
.Ltmp15:
0x198: {  	s22 =	sadd.s32 $0x80, s22;
	(pc) =	sbr.rel @p1 .LBB2_32-.Ltmp15, $2  }
0x199: {  	_ =	sdelay $0x2  }
0x19a: {  	s24 =	sadd.s32 $0x100, s24;
	s25 =	sadd.s32 s25, s13  }
0x19b: {  	[hbm4b:s25+s3] =	stream.linear.scatter [tilespmem:s23], [sflag:$0x2], $0x80, $0x38;
	[tilespmem:$0x1EB00] =	vst v63  }
0x19c: {  	s21 =	sadd.s32 $0x1, s21  }
0x19d: {  	_ =	swait.ge [sflag:s20], $0x1000;
	p1 =	sne.s32 s21, s14  }
.Ltmp16:
0x19e: {  	[sflag:s20] =	ssyncset.done $0x0;
	(pc) =	sbr.rel @p1 .LBB2_1-.Ltmp16, $4  }
0x19f: {  	[sflag:s20] =	ssyncadd.s32 $0xFFFFF000  }
0x1a0: {  	_ =	swait.ge [sflag:s20], $0x1000  }
0x1a1: {  	[sflag:s20] =	ssyncset.done $0x0  }
0x1a2: {  	[sflag:s20] =	ssyncadd.s32 $0xFFFFF000  }
0x1a3: {  	_ =	sfence.sel $0x180000  }
0x1a4: {  	[bflag:$0x0] =	sbarrier.arrive $0xFFFF  }
0x1a5: {  	_ =	strace $0x90000047  }
0x1a6: {  	s0 =	sadd.s32 @!p0 $0x100000, s0;
	[bflag:$0x2] =	sbarrier.arrive $0xFFFF  }
0x1a7: {  	[sflag:s0] =	ssyncadd.tile.s32 @!p0 $0x1;
	_ =	shalt  }
.Lfunc_end2:
_tile_overlayer_lowered:
.L_overlay_start_2:
0x1a8: {  	(tag) =	ssettag $0x2  }
0x1a9: {  	s0 =	rddreg [dreg:$0x0];
	s2 =	stileid.u32  }
0x1aa: {  	s1 =	rddreg [dreg:$0x1];
	p0 =	sne.s32 s2, $0x0  }
0x1ab: {  	s3 =	rddreg [dreg:$0x2];
	[bflag:$0x3] =	sbarrier.arrive $0xFFFF;
	s2 =	simm.s32 @!p0 $0x1C03  }
0x1ac: {  	[timem:s3], [sflag:s2] =	dma.local @!p0 [hbm:s0], s1  }
0x1ad: {  	s0 =	simm.s32 @!p0 $0x3  }
0x1ae: {  	_ =	swait.ge @!p0 [sflag:s0], s1  }
0x1af: {  	s1 =	ssub.s32 @!p0 $0x0, s1;
	[sflag:s0] =	ssyncset.done @!p0 $0x0  }
0x1b0: {  	[sflag:s0] =	ssyncadd.s32 @!p0 s1  }
0x1b1: {  	[bflag:$0x3] =	sbarrier.arrive $0xFFFF  }
0x1b2: {  	_ =	shalt  }

</sc_bundles>
